<compile_context>
chip_gen: v7x
topology: tpu7x:2x2x1
jax: 0.10.2.dev20260603
libtpu: 0.0.44.dev20260713+nightly
codegen_flags: <defaults>
</compile_context>

<pallas_src>
import math

import jax
import jax.numpy as jnp
from jax import lax
from jax.experimental import pallas as pl
from jax.experimental.pallas import tpu as pltpu
from jax.experimental.pallas import tpu_sc as plsc

_DC = 0.999
_N = 1024
_B, _C = 32, 384
_NTASK = _B * _C
_NC, _NS, _L = 2, 16, 16
_NW = _NC * _NS
_TPW = _NTASK // _NW
_T = 256
_NV = _T // _L
_LO, _HI = -5.0, 5.0
_DT = (_HI - _LO) / _T
_INV_DT = 1.0 / _DT
_LNDC = math.log(_DC)
_SCALE = 1.0 / (1.0 - _DC ** _N)
_CTOP = _LO + (_T - 0.5) * _DT
_CBOT = _LO + 0.5 * _DT
_C1 = _CTOP - _CBOT * (_DC ** _N)
_CHUNK = 8
_NCHUNK = _TPW // _CHUNK


def _gwrp_body(x_hbm, out_hbm, xbufA, xbufB, hbuf0,
               resbuf, semA, semB):
    wid = lax.axis_index("s") * _NC + lax.axis_index("c")
    base_task = wid * _TPW

    zeros16 = jnp.zeros((_L,), jnp.float32)
    ones16 = jnp.ones((_L,), jnp.float32)
    lane = lax.iota(jnp.int32, _L)
    stride_idx = lane * _L

    def zinit(i, c):
        hbuf0[pl.ds(i * _L, _L)] = zeros16
        return c

    lax.fori_loop(0, _NV, zinit, 0)

    def start_copy(ci, buf, sem):
        pltpu.async_copy(
            x_hbm.at[pl.ds(base_task + ci * _CHUNK, _CHUNK)], buf, sem)

    def wait_copy(buf, sem):
        pltpu.make_async_copy(
            x_hbm.at[pl.ds(0, _CHUNK)], buf, sem).wait()

    def hist(xbuf, t, hbuf):
        @plsc.parallel_loop(0, 32, 2, unroll=4)
        def _hist(r):
            for u in range(2):
                for half in range(2):
                    v = xbuf[t, r + u, pl.ds(half * _L, _L)]
                    bf = jnp.minimum(
                        jnp.maximum((v - _LO) * _INV_DT, 0.0), _T - 1.0)
                    plsc.addupdate_scatter(
                        hbuf, [bf.astype(jnp.int32)], ones16)

    def bucket_pass(hbuf):
        gs = [plsc.load_gather(hbuf, [stride_idx + p]) for p in range(_L)]
        while len(gs) > 1:
            gs = [gs[i] + gs[i + 1] for i in range(0, len(gs), 2)]
        tot = gs[0]
        pex = plsc.cumsum(tot) - tot

        accs = [zeros16] * 4
        for j in range(_NV):
            o = j * _L
            h = hbuf[pl.ds(o, _L)]
            hbuf[pl.ds(o, _L)] = zeros16
            carry = jnp.broadcast_to(pex[j], (_L,))
            p_incl = plsc.cumsum(h) + carry
            accs[j % 4] = accs[j % 4] + jnp.exp((_N - p_incl) * _LNDC)

        acc = (accs[0] + accs[1]) + (accs[2] + accs[3])
        s_vec = jnp.broadcast_to(jnp.sum(acc), (_L,)) - 1.0
        return (_C1 - _DT * s_vec) * _SCALE

    def process_chunk(xbuf, ci, res_vec):
        def task_body(t, rv):
            hist(xbuf, t, hbuf0)
            tv = bucket_pass(hbuf0)
            return jnp.where(lane == (ci % 2) * _CHUNK + t, tv, rv)

        return lax.fori_loop(0, _CHUNK, task_body, res_vec)

    start_copy(0, xbufA, semA)

    def pair_body(ci2, c):
        c0 = ci2 * 2
        start_copy(c0 + 1, xbufB, semB)
        wait_copy(xbufA, semA)
        res_vec = process_chunk(xbufA, c0, zeros16)

        @pl.when(c0 + 2 < _NCHUNK)
        def _():
            start_copy(c0 + 2, xbufA, semA)

        wait_copy(xbufB, semB)
        res_vec = process_chunk(xbufB, c0 + 1, res_vec)
        resbuf[pl.ds(ci2 * (2 * _CHUNK), 2 * _CHUNK)] = res_vec
        return c

    lax.fori_loop(0, _NCHUNK // 2, pair_body, 0)
    pltpu.sync_copy(resbuf, out_hbm.at[pl.ds(base_task, _TPW)])


@jax.jit
def kernel(x):
    call = pl.kernel(
        _gwrp_body,
        out_type=jax.ShapeDtypeStruct((_NTASK,), jnp.float32),
        mesh=plsc.VectorSubcoreMesh(
            core_axis_name="c", subcore_axis_name="s"),
        compiler_params=pltpu.CompilerParams(needs_layout_passes=False),
        scratch_types=[
            pltpu.VMEM((_CHUNK, 32, 32), jnp.float32),
            pltpu.VMEM((_CHUNK, 32, 32), jnp.float32),
            pltpu.VMEM((_T,), jnp.float32),
            pltpu.VMEM((_TPW,), jnp.float32),
            pltpu.SemaphoreType.DMA,
            pltpu.SemaphoreType.DMA,
        ],
    )
    return call(x.reshape(_NTASK, 32, 32)).reshape(_B, _C)

# --- scband reference (transcript-rebuilt; emitter-appended) ---
"""Pipeline reference for scband-global-weighted-rank-pooling2d-84911503441932 (READ-ONLY COPY).

The authoritative reference and input builder live on the scoring server;
editing this copy changes nothing except your own understanding.
"""

import jax, jax.numpy as jnp
import numpy as np

DC = 0.999

def setup_inputs(seed: int = 0) -> dict:
    key = jax.random.key(seed)
    x = jax.random.normal(key, (32, 384, 32, 32), dtype=jnp.float32)
    return {"x": x}

def reference(x):
    B, C = x.shape[0], x.shape[1]
    xf = x.reshape(B, C, -1)
    # descending sort along spatial dim
    xs = -jnp.sort(-xf, axis=2)
    n = xs.shape[2]
    weights = DC ** jnp.arange(n, dtype=jnp.float32)
    norm_term = jnp.sum(weights)
    y = jnp.sum(xs * weights[None, None, :], axis=2) / norm_term
    return y

if __name__ == "__main__":
    import jax
    _d = setup_inputs()
    print(jax.jit(kernel)(*tuple(_d.values())))

</pallas_src>

<mosaic_0001>
#map = affine_map<(d0, d1) -> (0, 0, 0)>
#map1 = affine_map<(d0, d1) -> (0)>
module attributes {stable_mosaic.version = 14 : i64} {
  func.func @_gwrp_body(%arg0: i32, %arg1: i32, %arg2: memref<12288x32x32xf32, #tpu.memory_space<hbm>>, %arg3: memref<12288xf32, #tpu.memory_space<hbm>>, %arg4: memref<8x32x32xf32, #tpu.memory_space<vmem>>, %arg5: memref<8x32x32xf32, #tpu.memory_space<vmem>>, %arg6: memref<256xf32, #tpu.memory_space<vmem>>, %arg7: memref<384xf32, #tpu.memory_space<vmem>>, %arg8: memref<!tpu.dma_semaphore, #tpu.memory_space<semaphore_mem>>, %arg9: memref<!tpu.dma_semaphore, #tpu.memory_space<semaphore_mem>>) attributes {dimension_semantics = [#tpu.dimension_semantics<core_parallel>, #tpu.dimension_semantics<subcore_parallel>], iteration_bounds = array<i64: 2, 16>, scalar_prefetch = 0 : i64, scratch_operands = 6 : i64, tpu.core_type = #tpu.core_type<sc_vector_subcore>, window_params = [{transform_indices = #map}, {transform_indices = #map1}]} {
    %mul3A = arith.constant 2 : i32
    %mul3A_0 = arith.muli %arg1, %mul3A : i32
    %add3A = arith.addi %mul3A_0, %arg0 : i32
    %mul3A_1 = arith.constant 384 : i32
    %mul3A_2 = arith.muli %add3A, %mul3A_1 : i32
    %broadcast_in_dim3A = arith.constant 0.000000e+00 : f32
    %broadcast_in_dim3A_3 = vector.broadcast %broadcast_in_dim3A : f32 to vector<16xf32>
    %broadcast_in_dim3A_4 = arith.constant 1.000000e+00 : f32
    %broadcast_in_dim3A_5 = vector.broadcast %broadcast_in_dim3A_4 : f32 to vector<16xf32>
    %iota3A = tpu.iota {dimensions = array<i32: 0>} : vector<16xi32>
    %mul3A_6 = arith.constant 16 : i32
    %mul3A_7 = vector.broadcast %mul3A_6 : i32 to vector<16xi32>
    %mul3A_8 = arith.muli %iota3A, %mul3A_7 : vector<16xi32>
    %scan3A = arith.constant 0 : i32
    %scan3A_9 = arith.constant 0 : i32
    %scan3A_10 = arith.constant 16 : i32
    %scan3A_11 = arith.addi %scan3A_9, %scan3A_10 : i32
    %scan3A_12 = arith.constant 1 : i32
    scf.for %scan3A_27 = %scan3A_9 to %scan3A_11 step %scan3A_12  : i32 {
      %mul3A_28 = arith.constant 16 : i32
      %mul3A_29 = arith.muli %scan3A_27, %mul3A_28 : i32
      %swap3A = arith.index_cast %mul3A_29 : i32 to index
      %swap3A_30 = tpu.vector_load %arg6[%swap3A] {strides = array<i32>} : memref<256xf32, #tpu.memory_space<vmem>>, vector<16xf32>,
      tpu.vector_store %arg6[%swap3A], %broadcast_in_dim3A_3 {strides = array<i32>} : memref<256xf32, #tpu.memory_space<vmem>>, vector<16xf32>,
    }
    %scan3A_13 = arith.constant 16 : i32
    %add3A_14 = arith.constant 0 : i32
    %add3A_15 = arith.addi %mul3A_2, %add3A_14 : i32
    %dma_start3A = arith.constant 0 : i32
    %dma_start3A_16 = arith.constant 0 : i32
    %dma_start3A_17 = tpu.memref_slice %arg2[%add3A_15, %dma_start3A, %dma_start3A_16] : memref<12288x32x32xf32, #tpu.memory_space<hbm>> -> memref<8x32x32xf32, #tpu.memory_space<hbm>>
    %dma_start3A_18 = arith.constant 0 : i32
    %dma_start3A_19 = arith.constant 0 : i32
    %dma_start3A_20 = tpu.memref_slice %arg2[%add3A_15, %dma_start3A_18, %dma_start3A_19] : memref<12288x32x32xf32, #tpu.memory_space<hbm>> -> memref<8x32x32xf32, #tpu.memory_space<hbm>>
    tpu.enqueue_dma source(%dma_start3A_20 : memref<8x32x32xf32, #tpu.memory_space<hbm>>) target(%arg4 : memref<8x32x32xf32, #tpu.memory_space<vmem>>) target_semaphore(%arg8 : memref<!tpu.dma_semaphore, #tpu.memory_space<semaphore_mem>>)
    %scan3A_21 = arith.constant 0 : i32
    %scan3A_22 = arith.constant 0 : i32
    %scan3A_23 = arith.constant 24 : i32
    %scan3A_24 = arith.addi %scan3A_22, %scan3A_23 : i32
    %scan3A_25 = arith.constant 1 : i32
    scf.for %scan3A_27 = %scan3A_22 to %scan3A_24 step %scan3A_25  : i32 {
      %mul3A_28 = arith.constant 2 : i32
      %mul3A_29 = arith.muli %scan3A_27, %mul3A_28 : i32
      %add3A_30 = arith.constant 1 : i32
      %add3A_31 = arith.addi %mul3A_29, %add3A_30 : i32
      %mul3A_32 = arith.constant 8 : i32
      %mul3A_33 = arith.muli %add3A_31, %mul3A_32 : i32
      %add3A_34 = arith.addi %mul3A_2, %mul3A_33 : i32
      %dma_start3A_35 = arith.constant 0 : i32
      %dma_start3A_36 = arith.constant 0 : i32
      %dma_start3A_37 = tpu.memref_slice %arg2[%add3A_34, %dma_start3A_35, %dma_start3A_36] : memref<12288x32x32xf32, #tpu.memory_space<hbm>> -> memref<8x32x32xf32, #tpu.memory_space<hbm>>
      %dma_start3A_38 = arith.constant 0 : i32
      %dma_start3A_39 = arith.constant 0 : i32
      %dma_start3A_40 = tpu.memref_slice %arg2[%add3A_34, %dma_start3A_38, %dma_start3A_39] : memref<12288x32x32xf32, #tpu.memory_space<hbm>> -> memref<8x32x32xf32, #tpu.memory_space<hbm>>
      tpu.enqueue_dma source(%dma_start3A_40 : memref<8x32x32xf32, #tpu.memory_space<hbm>>) target(%arg5 : memref<8x32x32xf32, #tpu.memory_space<vmem>>) target_semaphore(%arg9 : memref<!tpu.dma_semaphore, #tpu.memory_space<semaphore_mem>>)
      %dma_wait3A = arith.constant 0 : i32
      %dma_wait3A_41 = arith.constant 0 : i32
      %dma_wait3A_42 = arith.constant 0 : i32
      %dma_wait3A_43 = tpu.memref_slice %arg2[%dma_wait3A, %dma_wait3A_41, %dma_wait3A_42] : memref<12288x32x32xf32, #tpu.memory_space<hbm>> -> memref<8x32x32xf32, #tpu.memory_space<hbm>>
      %dma_wait3A_44 = arith.constant 0 : i32
      %dma_wait3A_45 = arith.constant 0 : i32
      %dma_wait3A_46 = arith.constant 0 : i32
      %dma_wait3A_47 = tpu.memref_slice %arg2[%dma_wait3A_44, %dma_wait3A_45, %dma_wait3A_46] : memref<12288x32x32xf32, #tpu.memory_space<hbm>> -> memref<8x32x32xf32, #tpu.memory_space<hbm>>
      tpu.wait_dma2 semaphore(%arg8 : memref<!tpu.dma_semaphore, #tpu.memory_space<semaphore_mem>>) src(%dma_wait3A_47 : memref<8x32x32xf32, #tpu.memory_space<hbm>>) dst(%arg4 : memref<8x32x32xf32, #tpu.memory_space<vmem>>)
      %scan3A_48 = arith.constant 0 : i32
      %scan3A_49 = arith.constant 8 : i32
      %scan3A_50 = arith.addi %scan3A_48, %scan3A_49 : i32
      %scan3A_51 = arith.constant 1 : i32
      %scan3A_52 = scf.for %scan3A_77 = %scan3A_48 to %scan3A_50 step %scan3A_51 iter_args(%scan3A_78 = %broadcast_in_dim3A_3) -> (vector<16xf32>)  : i32 {
        %parallel_loop3A = arith.constant 0 : i32
        %parallel_loop3A_79 = arith.constant 32 : i32
        %parallel_loop3A_80 = arith.constant 2 : i32
        scf.for %parallel_loop3A_496 = %parallel_loop3A to %parallel_loop3A_79 step %parallel_loop3A_80  : i32 {
          %parallel_loop3A_497 = arith.constant 0 : i32
          %parallel_loop3A_498 = arith.addi %parallel_loop3A_496, %parallel_loop3A_497 : i32
          %parallel_loop3A_499 = arith.index_cast %scan3A_77 : i32 to index
          %parallel_loop3A_500 = arith.index_cast %parallel_loop3A_498 : i32 to index
          %parallel_loop3A_501 = arith.constant 0 : index
          %parallel_loop3A_502 = tpu.vector_load %arg4[%parallel_loop3A_499, %parallel_loop3A_500, %parallel_loop3A_501] {strides = array<i32>} : memref<8x32x32xf32, #tpu.memory_space<vmem>>, vector<16xf32>,
          %parallel_loop3A_503 = arith.constant -5.000000e+00 : f32
          %parallel_loop3A_504 = vector.broadcast %parallel_loop3A_503 : f32 to vector<16xf32>
          %parallel_loop3A_505 = arith.subf %parallel_loop3A_502, %parallel_loop3A_504 : vector<16xf32>
          %parallel_loop3A_506 = arith.constant 2.560000e+01 : f32
          %parallel_loop3A_507 = vector.broadcast %parallel_loop3A_506 : f32 to vector<16xf32>
          %parallel_loop3A_508 = arith.mulf %parallel_loop3A_505, %parallel_loop3A_507 : vector<16xf32>
          %parallel_loop3A_509 = arith.constant 0.000000e+00 : f32
          %parallel_loop3A_510 = vector.broadcast %parallel_loop3A_509 : f32 to vector<16xf32>
          %parallel_loop3A_511 = arith.maximumf %parallel_loop3A_508, %parallel_loop3A_510 : vector<16xf32>
          %parallel_loop3A_512 = arith.constant 2.550000e+02 : f32
          %parallel_loop3A_513 = vector.broadcast %parallel_loop3A_512 : f32 to vector<16xf32>
          %parallel_loop3A_514 = arith.minimumf %parallel_loop3A_511, %parallel_loop3A_513 : vector<16xf32>
          %parallel_loop3A_515 = arith.fptosi %parallel_loop3A_514 : vector<16xf32> to vector<16xi32>
          tpu.vector_store_idx %arg6[%parallel_loop3A_515], %broadcast_in_dim3A_5 {add = true} : memref<256xf32, #tpu.memory_space<vmem>>[vector<16xi32>], vector<16xf32>,
          %parallel_loop3A_516 = arith.constant 0 : i32
          %parallel_loop3A_517 = arith.addi %parallel_loop3A_496, %parallel_loop3A_516 : i32
          %parallel_loop3A_518 = arith.index_cast %scan3A_77 : i32 to index
          %parallel_loop3A_519 = arith.index_cast %parallel_loop3A_517 : i32 to index
          %parallel_loop3A_520 = arith.constant 16 : index
          %parallel_loop3A_521 = tpu.vector_load %arg4[%parallel_loop3A_518, %parallel_loop3A_519, %parallel_loop3A_520] {strides = array<i32>} : memref<8x32x32xf32, #tpu.memory_space<vmem>>, vector<16xf32>,
          %parallel_loop3A_522 = arith.constant -5.000000e+00 : f32
          %parallel_loop3A_523 = vector.broadcast %parallel_loop3A_522 : f32 to vector<16xf32>
          %parallel_loop3A_524 = arith.subf %parallel_loop3A_521, %parallel_loop3A_523 : vector<16xf32>
          %parallel_loop3A_525 = arith.constant 2.560000e+01 : f32
          %parallel_loop3A_526 = vector.broadcast %parallel_loop3A_525 : f32 to vector<16xf32>
          %parallel_loop3A_527 = arith.mulf %parallel_loop3A_524, %parallel_loop3A_526 : vector<16xf32>
          %parallel_loop3A_528 = arith.constant 0.000000e+00 : f32
          %parallel_loop3A_529 = vector.broadcast %parallel_loop3A_528 : f32 to vector<16xf32>
          %parallel_loop3A_530 = arith.maximumf %parallel_loop3A_527, %parallel_loop3A_529 : vector<16xf32>
          %parallel_loop3A_531 = arith.constant 2.550000e+02 : f32
          %parallel_loop3A_532 = vector.broadcast %parallel_loop3A_531 : f32 to vector<16xf32>
          %parallel_loop3A_533 = arith.minimumf %parallel_loop3A_530, %parallel_loop3A_532 : vector<16xf32>
          %parallel_loop3A_534 = arith.fptosi %parallel_loop3A_533 : vector<16xf32> to vector<16xi32>
          tpu.vector_store_idx %arg6[%parallel_loop3A_534], %broadcast_in_dim3A_5 {add = true} : memref<256xf32, #tpu.memory_space<vmem>>[vector<16xi32>], vector<16xf32>,
          %parallel_loop3A_535 = arith.constant 1 : i32
          %parallel_loop3A_536 = arith.addi %parallel_loop3A_496, %parallel_loop3A_535 : i32
          %parallel_loop3A_537 = arith.index_cast %scan3A_77 : i32 to index
          %parallel_loop3A_538 = arith.index_cast %parallel_loop3A_536 : i32 to index
          %parallel_loop3A_539 = arith.constant 0 : index
          %parallel_loop3A_540 = tpu.vector_load %arg4[%parallel_loop3A_537, %parallel_loop3A_538, %parallel_loop3A_539] {strides = array<i32>} : memref<8x32x32xf32, #tpu.memory_space<vmem>>, vector<16xf32>,
          %parallel_loop3A_541 = arith.constant -5.000000e+00 : f32
          %parallel_loop3A_542 = vector.broadcast %parallel_loop3A_541 : f32 to vector<16xf32>
          %parallel_loop3A_543 = arith.subf %parallel_loop3A_540, %parallel_loop3A_542 : vector<16xf32>
          %parallel_loop3A_544 = arith.constant 2.560000e+01 : f32
          %parallel_loop3A_545 = vector.broadcast %parallel_loop3A_544 : f32 to vector<16xf32>
          %parallel_loop3A_546 = arith.mulf %parallel_loop3A_543, %parallel_loop3A_545 : vector<16xf32>
          %parallel_loop3A_547 = arith.constant 0.000000e+00 : f32
          %parallel_loop3A_548 = vector.broadcast %parallel_loop3A_547 : f32 to vector<16xf32>
          %parallel_loop3A_549 = arith.maximumf %parallel_loop3A_546, %parallel_loop3A_548 : vector<16xf32>
          %parallel_loop3A_550 = arith.constant 2.550000e+02 : f32
          %parallel_loop3A_551 = vector.broadcast %parallel_loop3A_550 : f32 to vector<16xf32>
          %parallel_loop3A_552 = arith.minimumf %parallel_loop3A_549, %parallel_loop3A_551 : vector<16xf32>
          %parallel_loop3A_553 = arith.fptosi %parallel_loop3A_552 : vector<16xf32> to vector<16xi32>
          tpu.vector_store_idx %arg6[%parallel_loop3A_553], %broadcast_in_dim3A_5 {add = true} : memref<256xf32, #tpu.memory_space<vmem>>[vector<16xi32>], vector<16xf32>,
          %parallel_loop3A_554 = arith.constant 1 : i32
          %parallel_loop3A_555 = arith.addi %parallel_loop3A_496, %parallel_loop3A_554 : i32
          %parallel_loop3A_556 = arith.index_cast %scan3A_77 : i32 to index
          %parallel_loop3A_557 = arith.index_cast %parallel_loop3A_555 : i32 to index
          %parallel_loop3A_558 = arith.constant 16 : index
          %parallel_loop3A_559 = tpu.vector_load %arg4[%parallel_loop3A_556, %parallel_loop3A_557, %parallel_loop3A_558] {strides = array<i32>} : memref<8x32x32xf32, #tpu.memory_space<vmem>>, vector<16xf32>,
          %parallel_loop3A_560 = arith.constant -5.000000e+00 : f32
          %parallel_loop3A_561 = vector.broadcast %parallel_loop3A_560 : f32 to vector<16xf32>
          %parallel_loop3A_562 = arith.subf %parallel_loop3A_559, %parallel_loop3A_561 : vector<16xf32>
          %parallel_loop3A_563 = arith.constant 2.560000e+01 : f32
          %parallel_loop3A_564 = vector.broadcast %parallel_loop3A_563 : f32 to vector<16xf32>
          %parallel_loop3A_565 = arith.mulf %parallel_loop3A_562, %parallel_loop3A_564 : vector<16xf32>
          %parallel_loop3A_566 = arith.constant 0.000000e+00 : f32
          %parallel_loop3A_567 = vector.broadcast %parallel_loop3A_566 : f32 to vector<16xf32>
          %parallel_loop3A_568 = arith.maximumf %parallel_loop3A_565, %parallel_loop3A_567 : vector<16xf32>
          %parallel_loop3A_569 = arith.constant 2.550000e+02 : f32
          %parallel_loop3A_570 = vector.broadcast %parallel_loop3A_569 : f32 to vector<16xf32>
          %parallel_loop3A_571 = arith.minimumf %parallel_loop3A_568, %parallel_loop3A_570 : vector<16xf32>
          %parallel_loop3A_572 = arith.fptosi %parallel_loop3A_571 : vector<16xf32> to vector<16xi32>
          tpu.vector_store_idx %arg6[%parallel_loop3A_572], %broadcast_in_dim3A_5 {add = true} : memref<256xf32, #tpu.memory_space<vmem>>[vector<16xi32>], vector<16xf32>,
        } {sc.loop_unroll_factor = 4 : i64, sc.parallel_access}
        %add3A_81 = arith.constant 0 : i32
        %add3A_82 = vector.broadcast %add3A_81 : i32 to vector<16xi32>
        %add3A_83 = arith.addi %mul3A_8, %add3A_82 : vector<16xi32>
        %gather3A = tpu.vector_load_idx %arg6[%add3A_83] : memref<256xf32, #tpu.memory_space<vmem>>[vector<16xi32>], vector<16xf32>,
        %add3A_84 = arith.constant 1 : i32
        %add3A_85 = vector.broadcast %add3A_84 : i32 to vector<16xi32>
        %add3A_86 = arith.addi %mul3A_8, %add3A_85 : vector<16xi32>
        %gather3A_87 = tpu.vector_load_idx %arg6[%add3A_86] : memref<256xf32, #tpu.memory_space<vmem>>[vector<16xi32>], vector<16xf32>,
        %add3A_88 = arith.constant 2 : i32
        %add3A_89 = vector.broadcast %add3A_88 : i32 to vector<16xi32>
        %add3A_90 = arith.addi %mul3A_8, %add3A_89 : vector<16xi32>
        %gather3A_91 = tpu.vector_load_idx %arg6[%add3A_90] : memref<256xf32, #tpu.memory_space<vmem>>[vector<16xi32>], vector<16xf32>,
        %add3A_92 = arith.constant 3 : i32
        %add3A_93 = vector.broadcast %add3A_92 : i32 to vector<16xi32>
        %add3A_94 = arith.addi %mul3A_8, %add3A_93 : vector<16xi32>
        %gather3A_95 = tpu.vector_load_idx %arg6[%add3A_94] : memref<256xf32, #tpu.memory_space<vmem>>[vector<16xi32>], vector<16xf32>,
        %add3A_96 = arith.constant 4 : i32
        %add3A_97 = vector.broadcast %add3A_96 : i32 to vector<16xi32>
        %add3A_98 = arith.addi %mul3A_8, %add3A_97 : vector<16xi32>
        %gather3A_99 = tpu.vector_load_idx %arg6[%add3A_98] : memref<256xf32, #tpu.memory_space<vmem>>[vector<16xi32>], vector<16xf32>,
        %add3A_100 = arith.constant 5 : i32
        %add3A_101 = vector.broadcast %add3A_100 : i32 to vector<16xi32>
        %add3A_102 = arith.addi %mul3A_8, %add3A_101 : vector<16xi32>
        %gather3A_103 = tpu.vector_load_idx %arg6[%add3A_102] : memref<256xf32, #tpu.memory_space<vmem>>[vector<16xi32>], vector<16xf32>,
        %add3A_104 = arith.constant 6 : i32
        %add3A_105 = vector.broadcast %add3A_104 : i32 to vector<16xi32>
        %add3A_106 = arith.addi %mul3A_8, %add3A_105 : vector<16xi32>
        %gather3A_107 = tpu.vector_load_idx %arg6[%add3A_106] : memref<256xf32, #tpu.memory_space<vmem>>[vector<16xi32>], vector<16xf32>,
        %add3A_108 = arith.constant 7 : i32
        %add3A_109 = vector.broadcast %add3A_108 : i32 to vector<16xi32>
        %add3A_110 = arith.addi %mul3A_8, %add3A_109 : vector<16xi32>
        %gather3A_111 = tpu.vector_load_idx %arg6[%add3A_110] : memref<256xf32, #tpu.memory_space<vmem>>[vector<16xi32>], vector<16xf32>,
        %add3A_112 = arith.constant 8 : i32
        %add3A_113 = vector.broadcast %add3A_112 : i32 to vector<16xi32>
        %add3A_114 = arith.addi %mul3A_8, %add3A_113 : vector<16xi32>
        %gather3A_115 = tpu.vector_load_idx %arg6[%add3A_114] : memref<256xf32, #tpu.memory_space<vmem>>[vector<16xi32>], vector<16xf32>,
        %add3A_116 = arith.constant 9 : i32
        %add3A_117 = vector.broadcast %add3A_116 : i32 to vector<16xi32>
        %add3A_118 = arith.addi %mul3A_8, %add3A_117 : vector<16xi32>
        %gather3A_119 = tpu.vector_load_idx %arg6[%add3A_118] : memref<256xf32, #tpu.memory_space<vmem>>[vector<16xi32>], vector<16xf32>,
        %add3A_120 = arith.constant 10 : i32
        %add3A_121 = vector.broadcast %add3A_120 : i32 to vector<16xi32>
        %add3A_122 = arith.addi %mul3A_8, %add3A_121 : vector<16xi32>
        %gather3A_123 = tpu.vector_load_idx %arg6[%add3A_122] : memref<256xf32, #tpu.memory_space<vmem>>[vector<16xi32>], vector<16xf32>,
        %add3A_124 = arith.constant 11 : i32
        %add3A_125 = vector.broadcast %add3A_124 : i32 to vector<16xi32>
        %add3A_126 = arith.addi %mul3A_8, %add3A_125 : vector<16xi32>
        %gather3A_127 = tpu.vector_load_idx %arg6[%add3A_126] : memref<256xf32, #tpu.memory_space<vmem>>[vector<16xi32>], vector<16xf32>,
        %add3A_128 = arith.constant 12 : i32
        %add3A_129 = vector.broadcast %add3A_128 : i32 to vector<16xi32>
        %add3A_130 = arith.addi %mul3A_8, %add3A_129 : vector<16xi32>
        %gather3A_131 = tpu.vector_load_idx %arg6[%add3A_130] : memref<256xf32, #tpu.memory_space<vmem>>[vector<16xi32>], vector<16xf32>,
        %add3A_132 = arith.constant 13 : i32
        %add3A_133 = vector.broadcast %add3A_132 : i32 to vector<16xi32>
        %add3A_134 = arith.addi %mul3A_8, %add3A_133 : vector<16xi32>
        %gather3A_135 = tpu.vector_load_idx %arg6[%add3A_134] : memref<256xf32, #tpu.memory_space<vmem>>[vector<16xi32>], vector<16xf32>,
        %add3A_136 = arith.constant 14 : i32
        %add3A_137 = vector.broadcast %add3A_136 : i32 to vector<16xi32>
        %add3A_138 = arith.addi %mul3A_8, %add3A_137 : vector<16xi32>
        %gather3A_139 = tpu.vector_load_idx %arg6[%add3A_138] : memref<256xf32, #tpu.memory_space<vmem>>[vector<16xi32>], vector<16xf32>,
        %add3A_140 = arith.constant 15 : i32
        %add3A_141 = vector.broadcast %add3A_140 : i32 to vector<16xi32>
        %add3A_142 = arith.addi %mul3A_8, %add3A_141 : vector<16xi32>
        %gather3A_143 = tpu.vector_load_idx %arg6[%add3A_142] : memref<256xf32, #tpu.memory_space<vmem>>[vector<16xi32>], vector<16xf32>,
        %add3A_144 = arith.addf %gather3A, %gather3A_87 : vector<16xf32>
        %add3A_145 = arith.addf %gather3A_91, %gather3A_95 : vector<16xf32>
        %add3A_146 = arith.addf %gather3A_99, %gather3A_103 : vector<16xf32>
        %add3A_147 = arith.addf %gather3A_107, %gather3A_111 : vector<16xf32>
        %add3A_148 = arith.addf %gather3A_115, %gather3A_119 : vector<16xf32>
        %add3A_149 = arith.addf %gather3A_123, %gather3A_127 : vector<16xf32>
        %add3A_150 = arith.addf %gather3A_131, %gather3A_135 : vector<16xf32>
        %add3A_151 = arith.addf %gather3A_139, %gather3A_143 : vector<16xf32>
        %add3A_152 = arith.addf %add3A_144, %add3A_145 : vector<16xf32>
        %add3A_153 = arith.addf %add3A_146, %add3A_147 : vector<16xf32>
        %add3A_154 = arith.addf %add3A_148, %add3A_149 : vector<16xf32>
        %add3A_155 = arith.addf %add3A_150, %add3A_151 : vector<16xf32>
        %add3A_156 = arith.addf %add3A_152, %add3A_153 : vector<16xf32>
        %add3A_157 = arith.addf %add3A_154, %add3A_155 : vector<16xf32>
        %add3A_158 = arith.addf %add3A_156, %add3A_157 : vector<16xf32>
        %broadcast_in_dim3A_159 = arith.constant true
        %broadcast_in_dim3A_160 = vector.broadcast %broadcast_in_dim3A_159 : i1 to vector<16xi1>
        %masked_cumsum3A = tpu.scan <sum>, %add3A_158 masked %broadcast_in_dim3A_160 : vector<16xf32>, vector<16xi1> -> vector<16xf32>
        %sub3A = arith.subf %masked_cumsum3A, %add3A_158 : vector<16xf32>
        %get3A = arith.constant 0 : index
        %get3A_161 = tpu.vector_load %arg6[%get3A] {strides = array<i32>} : memref<256xf32, #tpu.memory_space<vmem>>, vector<16xf32>,
        %swap3A_162 = arith.constant 0 : index
        %swap3A_163 = tpu.vector_load %arg6[%swap3A_162] {strides = array<i32>} : memref<256xf32, #tpu.memory_space<vmem>>, vector<16xf32>,
        tpu.vector_store %arg6[%swap3A_162], %broadcast_in_dim3A_3 {strides = array<i32>} : memref<256xf32, #tpu.memory_space<vmem>>, vector<16xf32>,
        %slice3A = vector.extract_strided_slice %sub3A {offsets = [0], sizes = [1], strides = [1]} : vector<16xf32> to vector<1xf32>
        %squeeze3A = vector.extract %slice3A[0] : f32 from vector<1xf32>
        %broadcast_in_dim3A_164 = vector.broadcast %squeeze3A : f32 to vector<16xf32>
        %broadcast_in_dim3A_165 = arith.constant true
        %broadcast_in_dim3A_166 = vector.broadcast %broadcast_in_dim3A_165 : i1 to vector<16xi1>
        %masked_cumsum3A_167 = tpu.scan <sum>, %get3A_161 masked %broadcast_in_dim3A_166 : vector<16xf32>, vector<16xi1> -> vector<16xf32>
        %add3A_168 = arith.addf %masked_cumsum3A_167, %broadcast_in_dim3A_164 : vector<16xf32>
        %sub3A_169 = arith.constant 1.024000e+03 : f32
        %sub3A_170 = vector.broadcast %sub3A_169 : f32 to vector<16xf32>
        %sub3A_171 = arith.subf %sub3A_170, %add3A_168 : vector<16xf32>
        %mul3A_172 = arith.constant -0.00100050028 : f32
        %mul3A_173 = vector.broadcast %mul3A_172 : f32 to vector<16xf32>
        %mul3A_174 = arith.mulf %sub3A_171, %mul3A_173 : vector<16xf32>
        %exp3A = math.exp %mul3A_174 : vector<16xf32>
        %add3A_175 = arith.addf %broadcast_in_dim3A_3, %exp3A : vector<16xf32>
        %get3A_176 = arith.constant 16 : index
        %get3A_177 = tpu.vector_load %arg6[%get3A_176] {strides = array<i32>} : memref<256xf32, #tpu.memory_space<vmem>>, vector<16xf32>,
        %swap3A_178 = arith.constant 16 : index
        %swap3A_179 = tpu.vector_load %arg6[%swap3A_178] {strides = array<i32>} : memref<256xf32, #tpu.memory_space<vmem>>, vector<16xf32>,
        tpu.vector_store %arg6[%swap3A_178], %broadcast_in_dim3A_3 {strides = array<i32>} : memref<256xf32, #tpu.memory_space<vmem>>, vector<16xf32>,
        %slice3A_180 = vector.extract_strided_slice %sub3A {offsets = [1], sizes = [1], strides = [1]} : vector<16xf32> to vector<1xf32>
        %squeeze3A_181 = vector.extract %slice3A_180[0] : f32 from vector<1xf32>
        %broadcast_in_dim3A_182 = vector.broadcast %squeeze3A_181 : f32 to vector<16xf32>
        %broadcast_in_dim3A_183 = arith.constant true
        %broadcast_in_dim3A_184 = vector.broadcast %broadcast_in_dim3A_183 : i1 to vector<16xi1>
        %masked_cumsum3A_185 = tpu.scan <sum>, %get3A_177 masked %broadcast_in_dim3A_184 : vector<16xf32>, vector<16xi1> -> vector<16xf32>
        %add3A_186 = arith.addf %masked_cumsum3A_185, %broadcast_in_dim3A_182 : vector<16xf32>
        %sub3A_187 = arith.constant 1.024000e+03 : f32
        %sub3A_188 = vector.broadcast %sub3A_187 : f32 to vector<16xf32>
        %sub3A_189 = arith.subf %sub3A_188, %add3A_186 : vector<16xf32>
        %mul3A_190 = arith.constant -0.00100050028 : f32
        %mul3A_191 = vector.broadcast %mul3A_190 : f32 to vector<16xf32>
        %mul3A_192 = arith.mulf %sub3A_189, %mul3A_191 : vector<16xf32>
        %exp3A_193 = math.exp %mul3A_192 : vector<16xf32>
        %add3A_194 = arith.addf %broadcast_in_dim3A_3, %exp3A_193 : vector<16xf32>
        %get3A_195 = arith.constant 32 : index
        %get3A_196 = tpu.vector_load %arg6[%get3A_195] {strides = array<i32>} : memref<256xf32, #tpu.memory_space<vmem>>, vector<16xf32>,
        %swap3A_197 = arith.constant 32 : index
        %swap3A_198 = tpu.vector_load %arg6[%swap3A_197] {strides = array<i32>} : memref<256xf32, #tpu.memory_space<vmem>>, vector<16xf32>,
        tpu.vector_store %arg6[%swap3A_197], %broadcast_in_dim3A_3 {strides = array<i32>} : memref<256xf32, #tpu.memory_space<vmem>>, vector<16xf32>,
        %slice3A_199 = vector.extract_strided_slice %sub3A {offsets = [2], sizes = [1], strides = [1]} : vector<16xf32> to vector<1xf32>
        %squeeze3A_200 = vector.extract %slice3A_199[0] : f32 from vector<1xf32>
        %broadcast_in_dim3A_201 = vector.broadcast %squeeze3A_200 : f32 to vector<16xf32>
        %broadcast_in_dim3A_202 = arith.constant true
        %broadcast_in_dim3A_203 = vector.broadcast %broadcast_in_dim3A_202 : i1 to vector<16xi1>
        %masked_cumsum3A_204 = tpu.scan <sum>, %get3A_196 masked %broadcast_in_dim3A_203 : vector<16xf32>, vector<16xi1> -> vector<16xf32>
        %add3A_205 = arith.addf %masked_cumsum3A_204, %broadcast_in_dim3A_201 : vector<16xf32>
        %sub3A_206 = arith.constant 1.024000e+03 : f32
        %sub3A_207 = vector.broadcast %sub3A_206 : f32 to vector<16xf32>
        %sub3A_208 = arith.subf %sub3A_207, %add3A_205 : vector<16xf32>
        %mul3A_209 = arith.constant -0.00100050028 : f32
        %mul3A_210 = vector.broadcast %mul3A_209 : f32 to vector<16xf32>
        %mul3A_211 = arith.mulf %sub3A_208, %mul3A_210 : vector<16xf32>
        %exp3A_212 = math.exp %mul3A_211 : vector<16xf32>
        %add3A_213 = arith.addf %broadcast_in_dim3A_3, %exp3A_212 : vector<16xf32>
        %get3A_214 = arith.constant 48 : index
        %get3A_215 = tpu.vector_load %arg6[%get3A_214] {strides = array<i32>} : memref<256xf32, #tpu.memory_space<vmem>>, vector<16xf32>,
        %swap3A_216 = arith.constant 48 : index
        %swap3A_217 = tpu.vector_load %arg6[%swap3A_216] {strides = array<i32>} : memref<256xf32, #tpu.memory_space<vmem>>, vector<16xf32>,
        tpu.vector_store %arg6[%swap3A_216], %broadcast_in_dim3A_3 {strides = array<i32>} : memref<256xf32, #tpu.memory_space<vmem>>, vector<16xf32>,
        %slice3A_218 = vector.extract_strided_slice %sub3A {offsets = [3], sizes = [1], strides = [1]} : vector<16xf32> to vector<1xf32>
        %squeeze3A_219 = vector.extract %slice3A_218[0] : f32 from vector<1xf32>
        %broadcast_in_dim3A_220 = vector.broadcast %squeeze3A_219 : f32 to vector<16xf32>
        %broadcast_in_dim3A_221 = arith.constant true
        %broadcast_in_dim3A_222 = vector.broadcast %broadcast_in_dim3A_221 : i1 to vector<16xi1>
        %masked_cumsum3A_223 = tpu.scan <sum>, %get3A_215 masked %broadcast_in_dim3A_222 : vector<16xf32>, vector<16xi1> -> vector<16xf32>
        %add3A_224 = arith.addf %masked_cumsum3A_223, %broadcast_in_dim3A_220 : vector<16xf32>
        %sub3A_225 = arith.constant 1.024000e+03 : f32
        %sub3A_226 = vector.broadcast %sub3A_225 : f32 to vector<16xf32>
        %sub3A_227 = arith.subf %sub3A_226, %add3A_224 : vector<16xf32>
        %mul3A_228 = arith.constant -0.00100050028 : f32
        %mul3A_229 = vector.broadcast %mul3A_228 : f32 to vector<16xf32>
        %mul3A_230 = arith.mulf %sub3A_227, %mul3A_229 : vector<16xf32>
        %exp3A_231 = math.exp %mul3A_230 : vector<16xf32>
        %add3A_232 = arith.addf %broadcast_in_dim3A_3, %exp3A_231 : vector<16xf32>
        %get3A_233 = arith.constant 64 : index
        %get3A_234 = tpu.vector_load %arg6[%get3A_233] {strides = array<i32>} : memref<256xf32, #tpu.memory_space<vmem>>, vector<16xf32>,
        %swap3A_235 = arith.constant 64 : index
        %swap3A_236 = tpu.vector_load %arg6[%swap3A_235] {strides = array<i32>} : memref<256xf32, #tpu.memory_space<vmem>>, vector<16xf32>,
        tpu.vector_store %arg6[%swap3A_235], %broadcast_in_dim3A_3 {strides = array<i32>} : memref<256xf32, #tpu.memory_space<vmem>>, vector<16xf32>,
        %slice3A_237 = vector.extract_strided_slice %sub3A {offsets = [4], sizes = [1], strides = [1]} : vector<16xf32> to vector<1xf32>
        %squeeze3A_238 = vector.extract %slice3A_237[0] : f32 from vector<1xf32>
        %broadcast_in_dim3A_239 = vector.broadcast %squeeze3A_238 : f32 to vector<16xf32>
        %broadcast_in_dim3A_240 = arith.constant true
        %broadcast_in_dim3A_241 = vector.broadcast %broadcast_in_dim3A_240 : i1 to vector<16xi1>
        %masked_cumsum3A_242 = tpu.scan <sum>, %get3A_234 masked %broadcast_in_dim3A_241 : vector<16xf32>, vector<16xi1> -> vector<16xf32>
        %add3A_243 = arith.addf %masked_cumsum3A_242, %broadcast_in_dim3A_239 : vector<16xf32>
        %sub3A_244 = arith.constant 1.024000e+03 : f32
        %sub3A_245 = vector.broadcast %sub3A_244 : f32 to vector<16xf32>
        %sub3A_246 = arith.subf %sub3A_245, %add3A_243 : vector<16xf32>
        %mul3A_247 = arith.constant -0.00100050028 : f32
        %mul3A_248 = vector.broadcast %mul3A_247 : f32 to vector<16xf32>
        %mul3A_249 = arith.mulf %sub3A_246, %mul3A_248 : vector<16xf32>
        %exp3A_250 = math.exp %mul3A_249 : vector<16xf32>
        %add3A_251 = arith.addf %add3A_175, %exp3A_250 : vector<16xf32>
        %get3A_252 = arith.constant 80 : index
        %get3A_253 = tpu.vector_load %arg6[%get3A_252] {strides = array<i32>} : memref<256xf32, #tpu.memory_space<vmem>>, vector<16xf32>,
        %swap3A_254 = arith.constant 80 : index
        %swap3A_255 = tpu.vector_load %arg6[%swap3A_254] {strides = array<i32>} : memref<256xf32, #tpu.memory_space<vmem>>, vector<16xf32>,
        tpu.vector_store %arg6[%swap3A_254], %broadcast_in_dim3A_3 {strides = array<i32>} : memref<256xf32, #tpu.memory_space<vmem>>, vector<16xf32>,
        %slice3A_256 = vector.extract_strided_slice %sub3A {offsets = [5], sizes = [1], strides = [1]} : vector<16xf32> to vector<1xf32>
        %squeeze3A_257 = vector.extract %slice3A_256[0] : f32 from vector<1xf32>
        %broadcast_in_dim3A_258 = vector.broadcast %squeeze3A_257 : f32 to vector<16xf32>
        %broadcast_in_dim3A_259 = arith.constant true
        %broadcast_in_dim3A_260 = vector.broadcast %broadcast_in_dim3A_259 : i1 to vector<16xi1>
        %masked_cumsum3A_261 = tpu.scan <sum>, %get3A_253 masked %broadcast_in_dim3A_260 : vector<16xf32>, vector<16xi1> -> vector<16xf32>
        %add3A_262 = arith.addf %masked_cumsum3A_261, %broadcast_in_dim3A_258 : vector<16xf32>
        %sub3A_263 = arith.constant 1.024000e+03 : f32
        %sub3A_264 = vector.broadcast %sub3A_263 : f32 to vector<16xf32>
        %sub3A_265 = arith.subf %sub3A_264, %add3A_262 : vector<16xf32>
        %mul3A_266 = arith.constant -0.00100050028 : f32
        %mul3A_267 = vector.broadcast %mul3A_266 : f32 to vector<16xf32>
        %mul3A_268 = arith.mulf %sub3A_265, %mul3A_267 : vector<16xf32>
        %exp3A_269 = math.exp %mul3A_268 : vector<16xf32>
        %add3A_270 = arith.addf %add3A_194, %exp3A_269 : vector<16xf32>
        %get3A_271 = arith.constant 96 : index
        %get3A_272 = tpu.vector_load %arg6[%get3A_271] {strides = array<i32>} : memref<256xf32, #tpu.memory_space<vmem>>, vector<16xf32>,
        %swap3A_273 = arith.constant 96 : index
        %swap3A_274 = tpu.vector_load %arg6[%swap3A_273] {strides = array<i32>} : memref<256xf32, #tpu.memory_space<vmem>>, vector<16xf32>,
        tpu.vector_store %arg6[%swap3A_273], %broadcast_in_dim3A_3 {strides = array<i32>} : memref<256xf32, #tpu.memory_space<vmem>>, vector<16xf32>,
        %slice3A_275 = vector.extract_strided_slice %sub3A {offsets = [6], sizes = [1], strides = [1]} : vector<16xf32> to vector<1xf32>
        %squeeze3A_276 = vector.extract %slice3A_275[0] : f32 from vector<1xf32>
        %broadcast_in_dim3A_277 = vector.broadcast %squeeze3A_276 : f32 to vector<16xf32>
        %broadcast_in_dim3A_278 = arith.constant true
        %broadcast_in_dim3A_279 = vector.broadcast %broadcast_in_dim3A_278 : i1 to vector<16xi1>
        %masked_cumsum3A_280 = tpu.scan <sum>, %get3A_272 masked %broadcast_in_dim3A_279 : vector<16xf32>, vector<16xi1> -> vector<16xf32>
        %add3A_281 = arith.addf %masked_cumsum3A_280, %broadcast_in_dim3A_277 : vector<16xf32>
        %sub3A_282 = arith.constant 1.024000e+03 : f32
        %sub3A_283 = vector.broadcast %sub3A_282 : f32 to vector<16xf32>
        %sub3A_284 = arith.subf %sub3A_283, %add3A_281 : vector<16xf32>
        %mul3A_285 = arith.constant -0.00100050028 : f32
        %mul3A_286 = vector.broadcast %mul3A_285 : f32 to vector<16xf32>
        %mul3A_287 = arith.mulf %sub3A_284, %mul3A_286 : vector<16xf32>
        %exp3A_288 = math.exp %mul3A_287 : vector<16xf32>
        %add3A_289 = arith.addf %add3A_213, %exp3A_288 : vector<16xf32>
        %get3A_290 = arith.constant 112 : index
        %get3A_291 = tpu.vector_load %arg6[%get3A_290] {strides = array<i32>} : memref<256xf32, #tpu.memory_space<vmem>>, vector<16xf32>,
        %swap3A_292 = arith.constant 112 : index
        %swap3A_293 = tpu.vector_load %arg6[%swap3A_292] {strides = array<i32>} : memref<256xf32, #tpu.memory_space<vmem>>, vector<16xf32>,
        tpu.vector_store %arg6[%swap3A_292], %broadcast_in_dim3A_3 {strides = array<i32>} : memref<256xf32, #tpu.memory_space<vmem>>, vector<16xf32>,
        %slice3A_294 = vector.extract_strided_slice %sub3A {offsets = [7], sizes = [1], strides = [1]} : vector<16xf32> to vector<1xf32>
        %squeeze3A_295 = vector.extract %slice3A_294[0] : f32 from vector<1xf32>
        %broadcast_in_dim3A_296 = vector.broadcast %squeeze3A_295 : f32 to vector<16xf32>
        %broadcast_in_dim3A_297 = arith.constant true
        %broadcast_in_dim3A_298 = vector.broadcast %broadcast_in_dim3A_297 : i1 to vector<16xi1>
        %masked_cumsum3A_299 = tpu.scan <sum>, %get3A_291 masked %broadcast_in_dim3A_298 : vector<16xf32>, vector<16xi1> -> vector<16xf32>
        %add3A_300 = arith.addf %masked_cumsum3A_299, %broadcast_in_dim3A_296 : vector<16xf32>
        %sub3A_301 = arith.constant 1.024000e+03 : f32
        %sub3A_302 = vector.broadcast %sub3A_301 : f32 to vector<16xf32>
        %sub3A_303 = arith.subf %sub3A_302, %add3A_300 : vector<16xf32>
        %mul3A_304 = arith.constant -0.00100050028 : f32
        %mul3A_305 = vector.broadcast %mul3A_304 : f32 to vector<16xf32>
        %mul3A_306 = arith.mulf %sub3A_303, %mul3A_305 : vector<16xf32>
        %exp3A_307 = math.exp %mul3A_306 : vector<16xf32>
        %add3A_308 = arith.addf %add3A_232, %exp3A_307 : vector<16xf32>
        %get3A_309 = arith.constant 128 : index
        %get3A_310 = tpu.vector_load %arg6[%get3A_309] {strides = array<i32>} : memref<256xf32, #tpu.memory_space<vmem>>, vector<16xf32>,
        %swap3A_311 = arith.constant 128 : index
        %swap3A_312 = tpu.vector_load %arg6[%swap3A_311] {strides = array<i32>} : memref<256xf32, #tpu.memory_space<vmem>>, vector<16xf32>,
        tpu.vector_store %arg6[%swap3A_311], %broadcast_in_dim3A_3 {strides = array<i32>} : memref<256xf32, #tpu.memory_space<vmem>>, vector<16xf32>,
        %slice3A_313 = vector.extract_strided_slice %sub3A {offsets = [8], sizes = [1], strides = [1]} : vector<16xf32> to vector<1xf32>
        %squeeze3A_314 = vector.extract %slice3A_313[0] : f32 from vector<1xf32>
        %broadcast_in_dim3A_315 = vector.broadcast %squeeze3A_314 : f32 to vector<16xf32>
        %broadcast_in_dim3A_316 = arith.constant true
        %broadcast_in_dim3A_317 = vector.broadcast %broadcast_in_dim3A_316 : i1 to vector<16xi1>
        %masked_cumsum3A_318 = tpu.scan <sum>, %get3A_310 masked %broadcast_in_dim3A_317 : vector<16xf32>, vector<16xi1> -> vector<16xf32>
        %add3A_319 = arith.addf %masked_cumsum3A_318, %broadcast_in_dim3A_315 : vector<16xf32>
        %sub3A_320 = arith.constant 1.024000e+03 : f32
        %sub3A_321 = vector.broadcast %sub3A_320 : f32 to vector<16xf32>
        %sub3A_322 = arith.subf %sub3A_321, %add3A_319 : vector<16xf32>
        %mul3A_323 = arith.constant -0.00100050028 : f32
        %mul3A_324 = vector.broadcast %mul3A_323 : f32 to vector<16xf32>
        %mul3A_325 = arith.mulf %sub3A_322, %mul3A_324 : vector<16xf32>
        %exp3A_326 = math.exp %mul3A_325 : vector<16xf32>
        %add3A_327 = arith.addf %add3A_251, %exp3A_326 : vector<16xf32>
        %get3A_328 = arith.constant 144 : index
        %get3A_329 = tpu.vector_load %arg6[%get3A_328] {strides = array<i32>} : memref<256xf32, #tpu.memory_space<vmem>>, vector<16xf32>,
        %swap3A_330 = arith.constant 144 : index
        %swap3A_331 = tpu.vector_load %arg6[%swap3A_330] {strides = array<i32>} : memref<256xf32, #tpu.memory_space<vmem>>, vector<16xf32>,
        tpu.vector_store %arg6[%swap3A_330], %broadcast_in_dim3A_3 {strides = array<i32>} : memref<256xf32, #tpu.memory_space<vmem>>, vector<16xf32>,
        %slice3A_332 = vector.extract_strided_slice %sub3A {offsets = [9], sizes = [1], strides = [1]} : vector<16xf32> to vector<1xf32>
        %squeeze3A_333 = vector.extract %slice3A_332[0] : f32 from vector<1xf32>
        %broadcast_in_dim3A_334 = vector.broadcast %squeeze3A_333 : f32 to vector<16xf32>
        %broadcast_in_dim3A_335 = arith.constant true
        %broadcast_in_dim3A_336 = vector.broadcast %broadcast_in_dim3A_335 : i1 to vector<16xi1>
        %masked_cumsum3A_337 = tpu.scan <sum>, %get3A_329 masked %broadcast_in_dim3A_336 : vector<16xf32>, vector<16xi1> -> vector<16xf32>
        %add3A_338 = arith.addf %masked_cumsum3A_337, %broadcast_in_dim3A_334 : vector<16xf32>
        %sub3A_339 = arith.constant 1.024000e+03 : f32
        %sub3A_340 = vector.broadcast %sub3A_339 : f32 to vector<16xf32>
        %sub3A_341 = arith.subf %sub3A_340, %add3A_338 : vector<16xf32>
        %mul3A_342 = arith.constant -0.00100050028 : f32
        %mul3A_343 = vector.broadcast %mul3A_342 : f32 to vector<16xf32>
        %mul3A_344 = arith.mulf %sub3A_341, %mul3A_343 : vector<16xf32>
        %exp3A_345 = math.exp %mul3A_344 : vector<16xf32>
        %add3A_346 = arith.addf %add3A_270, %exp3A_345 : vector<16xf32>
        %get3A_347 = arith.constant 160 : index
        %get3A_348 = tpu.vector_load %arg6[%get3A_347] {strides = array<i32>} : memref<256xf32, #tpu.memory_space<vmem>>, vector<16xf32>,
        %swap3A_349 = arith.constant 160 : index
        %swap3A_350 = tpu.vector_load %arg6[%swap3A_349] {strides = array<i32>} : memref<256xf32, #tpu.memory_space<vmem>>, vector<16xf32>,
        tpu.vector_store %arg6[%swap3A_349], %broadcast_in_dim3A_3 {strides = array<i32>} : memref<256xf32, #tpu.memory_space<vmem>>, vector<16xf32>,
        %slice3A_351 = vector.extract_strided_slice %sub3A {offsets = [10], sizes = [1], strides = [1]} : vector<16xf32> to vector<1xf32>
        %squeeze3A_352 = vector.extract %slice3A_351[0] : f32 from vector<1xf32>
        %broadcast_in_dim3A_353 = vector.broadcast %squeeze3A_352 : f32 to vector<16xf32>
        %broadcast_in_dim3A_354 = arith.constant true
        %broadcast_in_dim3A_355 = vector.broadcast %broadcast_in_dim3A_354 : i1 to vector<16xi1>
        %masked_cumsum3A_356 = tpu.scan <sum>, %get3A_348 masked %broadcast_in_dim3A_355 : vector<16xf32>, vector<16xi1> -> vector<16xf32>
        %add3A_357 = arith.addf %masked_cumsum3A_356, %broadcast_in_dim3A_353 : vector<16xf32>
        %sub3A_358 = arith.constant 1.024000e+03 : f32
        %sub3A_359 = vector.broadcast %sub3A_358 : f32 to vector<16xf32>
        %sub3A_360 = arith.subf %sub3A_359, %add3A_357 : vector<16xf32>
        %mul3A_361 = arith.constant -0.00100050028 : f32
        %mul3A_362 = vector.broadcast %mul3A_361 : f32 to vector<16xf32>
        %mul3A_363 = arith.mulf %sub3A_360, %mul3A_362 : vector<16xf32>
        %exp3A_364 = math.exp %mul3A_363 : vector<16xf32>
        %add3A_365 = arith.addf %add3A_289, %exp3A_364 : vector<16xf32>
        %get3A_366 = arith.constant 176 : index
        %get3A_367 = tpu.vector_load %arg6[%get3A_366] {strides = array<i32>} : memref<256xf32, #tpu.memory_space<vmem>>, vector<16xf32>,
        %swap3A_368 = arith.constant 176 : index
        %swap3A_369 = tpu.vector_load %arg6[%swap3A_368] {strides = array<i32>} : memref<256xf32, #tpu.memory_space<vmem>>, vector<16xf32>,
        tpu.vector_store %arg6[%swap3A_368], %broadcast_in_dim3A_3 {strides = array<i32>} : memref<256xf32, #tpu.memory_space<vmem>>, vector<16xf32>,
        %slice3A_370 = vector.extract_strided_slice %sub3A {offsets = [11], sizes = [1], strides = [1]} : vector<16xf32> to vector<1xf32>
        %squeeze3A_371 = vector.extract %slice3A_370[0] : f32 from vector<1xf32>
        %broadcast_in_dim3A_372 = vector.broadcast %squeeze3A_371 : f32 to vector<16xf32>
        %broadcast_in_dim3A_373 = arith.constant true
        %broadcast_in_dim3A_374 = vector.broadcast %broadcast_in_dim3A_373 : i1 to vector<16xi1>
        %masked_cumsum3A_375 = tpu.scan <sum>, %get3A_367 masked %broadcast_in_dim3A_374 : vector<16xf32>, vector<16xi1> -> vector<16xf32>
        %add3A_376 = arith.addf %masked_cumsum3A_375, %broadcast_in_dim3A_372 : vector<16xf32>
        %sub3A_377 = arith.constant 1.024000e+03 : f32
        %sub3A_378 = vector.broadcast %sub3A_377 : f32 to vector<16xf32>
        %sub3A_379 = arith.subf %sub3A_378, %add3A_376 : vector<16xf32>
        %mul3A_380 = arith.constant -0.00100050028 : f32
        %mul3A_381 = vector.broadcast %mul3A_380 : f32 to vector<16xf32>
        %mul3A_382 = arith.mulf %sub3A_379, %mul3A_381 : vector<16xf32>
        %exp3A_383 = math.exp %mul3A_382 : vector<16xf32>
        %add3A_384 = arith.addf %add3A_308, %exp3A_383 : vector<16xf32>
        %get3A_385 = arith.constant 192 : index
        %get3A_386 = tpu.vector_load %arg6[%get3A_385] {strides = array<i32>} : memref<256xf32, #tpu.memory_space<vmem>>, vector<16xf32>,
        %swap3A_387 = arith.constant 192 : index
        %swap3A_388 = tpu.vector_load %arg6[%swap3A_387] {strides = array<i32>} : memref<256xf32, #tpu.memory_space<vmem>>, vector<16xf32>,
        tpu.vector_store %arg6[%swap3A_387], %broadcast_in_dim3A_3 {strides = array<i32>} : memref<256xf32, #tpu.memory_space<vmem>>, vector<16xf32>,
        %slice3A_389 = vector.extract_strided_slice %sub3A {offsets = [12], sizes = [1], strides = [1]} : vector<16xf32> to vector<1xf32>
        %squeeze3A_390 = vector.extract %slice3A_389[0] : f32 from vector<1xf32>
        %broadcast_in_dim3A_391 = vector.broadcast %squeeze3A_390 : f32 to vector<16xf32>
        %broadcast_in_dim3A_392 = arith.constant true
        %broadcast_in_dim3A_393 = vector.broadcast %broadcast_in_dim3A_392 : i1 to vector<16xi1>
        %masked_cumsum3A_394 = tpu.scan <sum>, %get3A_386 masked %broadcast_in_dim3A_393 : vector<16xf32>, vector<16xi1> -> vector<16xf32>
        %add3A_395 = arith.addf %masked_cumsum3A_394, %broadcast_in_dim3A_391 : vector<16xf32>
        %sub3A_396 = arith.constant 1.024000e+03 : f32
        %sub3A_397 = vector.broadcast %sub3A_396 : f32 to vector<16xf32>
        %sub3A_398 = arith.subf %sub3A_397, %add3A_395 : vector<16xf32>
        %mul3A_399 = arith.constant -0.00100050028 : f32
        %mul3A_400 = vector.broadcast %mul3A_399 : f32 to vector<16xf32>
        %mul3A_401 = arith.mulf %sub3A_398, %mul3A_400 : vector<16xf32>
        %exp3A_402 = math.exp %mul3A_401 : vector<16xf32>
        %add3A_403 = arith.addf %add3A_327, %exp3A_402 : vector<16xf32>
        %get3A_404 = arith.constant 208 : index
        %get3A_405 = tpu.vector_load %arg6[%get3A_404] {strides = array<i32>} : memref<256xf32, #tpu.memory_space<vmem>>, vector<16xf32>,
        %swap3A_406 = arith.constant 208 : index
        %swap3A_407 = tpu.vector_load %arg6[%swap3A_406] {strides = array<i32>} : memref<256xf32, #tpu.memory_space<vmem>>, vector<16xf32>,
        tpu.vector_store %arg6[%swap3A_406], %broadcast_in_dim3A_3 {strides = array<i32>} : memref<256xf32, #tpu.memory_space<vmem>>, vector<16xf32>,
        %slice3A_408 = vector.extract_strided_slice %sub3A {offsets = [13], sizes = [1], strides = [1]} : vector<16xf32> to vector<1xf32>
        %squeeze3A_409 = vector.extract %slice3A_408[0] : f32 from vector<1xf32>
        %broadcast_in_dim3A_410 = vector.broadcast %squeeze3A_409 : f32 to vector<16xf32>
        %broadcast_in_dim3A_411 = arith.constant true
        %broadcast_in_dim3A_412 = vector.broadcast %broadcast_in_dim3A_411 : i1 to vector<16xi1>
        %masked_cumsum3A_413 = tpu.scan <sum>, %get3A_405 masked %broadcast_in_dim3A_412 : vector<16xf32>, vector<16xi1> -> vector<16xf32>
        %add3A_414 = arith.addf %masked_cumsum3A_413, %broadcast_in_dim3A_410 : vector<16xf32>
        %sub3A_415 = arith.constant 1.024000e+03 : f32
        %sub3A_416 = vector.broadcast %sub3A_415 : f32 to vector<16xf32>
        %sub3A_417 = arith.subf %sub3A_416, %add3A_414 : vector<16xf32>
        %mul3A_418 = arith.constant -0.00100050028 : f32
        %mul3A_419 = vector.broadcast %mul3A_418 : f32 to vector<16xf32>
        %mul3A_420 = arith.mulf %sub3A_417, %mul3A_419 : vector<16xf32>
        %exp3A_421 = math.exp %mul3A_420 : vector<16xf32>
        %add3A_422 = arith.addf %add3A_346, %exp3A_421 : vector<16xf32>
        %get3A_423 = arith.constant 224 : index
        %get3A_424 = tpu.vector_load %arg6[%get3A_423] {strides = array<i32>} : memref<256xf32, #tpu.memory_space<vmem>>, vector<16xf32>,
        %swap3A_425 = arith.constant 224 : index
        %swap3A_426 = tpu.vector_load %arg6[%swap3A_425] {strides = array<i32>} : memref<256xf32, #tpu.memory_space<vmem>>, vector<16xf32>,
        tpu.vector_store %arg6[%swap3A_425], %broadcast_in_dim3A_3 {strides = array<i32>} : memref<256xf32, #tpu.memory_space<vmem>>, vector<16xf32>,
        %slice3A_427 = vector.extract_strided_slice %sub3A {offsets = [14], sizes = [1], strides = [1]} : vector<16xf32> to vector<1xf32>
        %squeeze3A_428 = vector.extract %slice3A_427[0] : f32 from vector<1xf32>
        %broadcast_in_dim3A_429 = vector.broadcast %squeeze3A_428 : f32 to vector<16xf32>
        %broadcast_in_dim3A_430 = arith.constant true
        %broadcast_in_dim3A_431 = vector.broadcast %broadcast_in_dim3A_430 : i1 to vector<16xi1>
        %masked_cumsum3A_432 = tpu.scan <sum>, %get3A_424 masked %broadcast_in_dim3A_431 : vector<16xf32>, vector<16xi1> -> vector<16xf32>
        %add3A_433 = arith.addf %masked_cumsum3A_432, %broadcast_in_dim3A_429 : vector<16xf32>
        %sub3A_434 = arith.constant 1.024000e+03 : f32
        %sub3A_435 = vector.broadcast %sub3A_434 : f32 to vector<16xf32>
        %sub3A_436 = arith.subf %sub3A_435, %add3A_433 : vector<16xf32>
        %mul3A_437 = arith.constant -0.00100050028 : f32
        %mul3A_438 = vector.broadcast %mul3A_437 : f32 to vector<16xf32>
        %mul3A_439 = arith.mulf %sub3A_436, %mul3A_438 : vector<16xf32>
        %exp3A_440 = math.exp %mul3A_439 : vector<16xf32>
        %add3A_441 = arith.addf %add3A_365, %exp3A_440 : vector<16xf32>
        %get3A_442 = arith.constant 240 : index
        %get3A_443 = tpu.vector_load %arg6[%get3A_442] {strides = array<i32>} : memref<256xf32, #tpu.memory_space<vmem>>, vector<16xf32>,
        %swap3A_444 = arith.constant 240 : index
        %swap3A_445 = tpu.vector_load %arg6[%swap3A_444] {strides = array<i32>} : memref<256xf32, #tpu.memory_space<vmem>>, vector<16xf32>,
        tpu.vector_store %arg6[%swap3A_444], %broadcast_in_dim3A_3 {strides = array<i32>} : memref<256xf32, #tpu.memory_space<vmem>>, vector<16xf32>,
        %slice3A_446 = vector.extract_strided_slice %sub3A {offsets = [15], sizes = [1], strides = [1]} : vector<16xf32> to vector<1xf32>
        %squeeze3A_447 = vector.extract %slice3A_446[0] : f32 from vector<1xf32>
        %broadcast_in_dim3A_448 = vector.broadcast %squeeze3A_447 : f32 to vector<16xf32>
        %broadcast_in_dim3A_449 = arith.constant true
        %broadcast_in_dim3A_450 = vector.broadcast %broadcast_in_dim3A_449 : i1 to vector<16xi1>
        %masked_cumsum3A_451 = tpu.scan <sum>, %get3A_443 masked %broadcast_in_dim3A_450 : vector<16xf32>, vector<16xi1> -> vector<16xf32>
        %add3A_452 = arith.addf %masked_cumsum3A_451, %broadcast_in_dim3A_448 : vector<16xf32>
        %sub3A_453 = arith.constant 1.024000e+03 : f32
        %sub3A_454 = vector.broadcast %sub3A_453 : f32 to vector<16xf32>
        %sub3A_455 = arith.subf %sub3A_454, %add3A_452 : vector<16xf32>
        %mul3A_456 = arith.constant -0.00100050028 : f32
        %mul3A_457 = vector.broadcast %mul3A_456 : f32 to vector<16xf32>
        %mul3A_458 = arith.mulf %sub3A_455, %mul3A_457 : vector<16xf32>
        %exp3A_459 = math.exp %mul3A_458 : vector<16xf32>
        %add3A_460 = arith.addf %add3A_384, %exp3A_459 : vector<16xf32>
        %add3A_461 = arith.addf %add3A_403, %add3A_422 : vector<16xf32>
        %add3A_462 = arith.addf %add3A_441, %add3A_460 : vector<16xf32>
        %add3A_463 = arith.addf %add3A_461, %add3A_462 : vector<16xf32>
        %reduce_sum3A = arith.constant true
        %reduce_sum3A_464 = vector.broadcast %reduce_sum3A : i1 to vector<16xi1>
        %reduce_sum3A_465 = tpu.scan <sum>, %add3A_463 masked %reduce_sum3A_464 : vector<16xf32>, vector<16xi1> -> vector<16xf32>
        %reduce_sum3A_466 = vector.extract %reduce_sum3A_465[15] : f32 from vector<16xf32>
        %broadcast_in_dim3A_467 = vector.broadcast %reduce_sum3A_466 : f32 to vector<16xf32>
        %sub3A_468 = arith.constant 1.000000e+00 : f32
        %sub3A_469 = vector.broadcast %sub3A_468 : f32 to vector<16xf32>
        %sub3A_470 = arith.subf %broadcast_in_dim3A_467, %sub3A_469 : vector<16xf32>
        %mul3A_471 = arith.constant 3.906250e-02 : f32
        %mul3A_472 = vector.broadcast %mul3A_471 : f32 to vector<16xf32>
        %mul3A_473 = arith.mulf %mul3A_472, %sub3A_470 : vector<16xf32>
        %sub3A_474 = arith.constant 6.76831484 : f32
        %sub3A_475 = vector.broadcast %sub3A_474 : f32 to vector<16xf32>
        %sub3A_476 = arith.subf %sub3A_475, %mul3A_473 : vector<16xf32>
        %mul3A_477 = arith.constant 1.55999303 : f32
        %mul3A_478 = vector.broadcast %mul3A_477 : f32 to vector<16xf32>
        %mul3A_479 = arith.mulf %sub3A_476, %mul3A_478 : vector<16xf32>
        %jit3A = arith.constant 2 : i32
        %eq3A = arith.constant 0 : i32
        %eq3A_480 = arith.cmpi eq, %jit3A, %eq3A : i32
        %jit3A_481 = arith.constant 1 : i32
        %select_n3A = arith.select %eq3A_480, %jit3A_481, %jit3A : i32
        %rem3A = arith.remsi %mul3A_29, %select_n3A : i32
        %ne3A = arith.constant 0 : i32
        %ne3A_482 = arith.cmpi ne, %rem3A, %ne3A : i32
        %lt3A_483 = arith.constant 0 : i32
        %lt3A_484 = arith.cmpi slt, %rem3A, %lt3A_483 : i32
        %lt3A_485 = arith.constant 0 : i32
        %lt3A_486 = arith.cmpi slt, %select_n3A, %lt3A_485 : i32
        %ne3A_487 = arith.xori %lt3A_484, %lt3A_486 : i1
        %and3A = arith.andi %ne3A_487, %ne3A_482 : i1
        %add3A_488 = arith.addi %rem3A, %select_n3A : i32
        %select_n3A_489 = arith.select %and3A, %add3A_488, %rem3A : i32
        %mul3A_490 = arith.constant 8 : i32
        %mul3A_491 = arith.muli %select_n3A_489, %mul3A_490 : i32
        %add3A_492 = arith.addi %mul3A_491, %scan3A_77 : i32
        %eq3A_493 = vector.broadcast %add3A_492 : i32 to vector<16xi32>
        %eq3A_494 = arith.cmpi eq, %iota3A, %eq3A_493 : vector<16xi32>
        %select_n3A_495 = arith.select %eq3A_494, %mul3A_479, %scan3A_78 : vector<16xi1>, vector<16xf32>
        scf.yield %select_n3A_495 : vector<16xf32>
      }
      %scan3A_53 = arith.constant 8 : i32
      %add3A_54 = arith.constant 2 : i32
      %add3A_55 = arith.addi %mul3A_29, %add3A_54 : i32
      %lt3A = arith.constant 48 : i32
      %lt3A_56 = arith.cmpi slt, %add3A_55, %lt3A : i32
      %convert_element_type3A = arith.extui %lt3A_56 : i1 to i32
      %cond3A = arith.constant 0 : i32
      %cond3A_57 = arith.cmpi ne, %convert_element_type3A, %cond3A : i32
      scf.if %cond3A_57 {
        %add3A_77 = arith.constant 2 : i32
        %add3A_78 = arith.addi %mul3A_29, %add3A_77 : i32
        %mul3A_79 = arith.constant 8 : i32
        %mul3A_80 = arith.muli %add3A_78, %mul3A_79 : i32
        %add3A_81 = arith.addi %mul3A_2, %mul3A_80 : i32
        %dma_start3A_82 = arith.constant 0 : i32
        %dma_start3A_83 = arith.constant 0 : i32
        %dma_start3A_84 = tpu.memref_slice %arg2[%add3A_81, %dma_start3A_82, %dma_start3A_83] : memref<12288x32x32xf32, #tpu.memory_space<hbm>> -> memref<8x32x32xf32, #tpu.memory_space<hbm>>
        %dma_start3A_85 = arith.constant 0 : i32
        %dma_start3A_86 = arith.constant 0 : i32
        %dma_start3A_87 = tpu.memref_slice %arg2[%add3A_81, %dma_start3A_85, %dma_start3A_86] : memref<12288x32x32xf32, #tpu.memory_space<hbm>> -> memref<8x32x32xf32, #tpu.memory_space<hbm>>
        tpu.enqueue_dma source(%dma_start3A_87 : memref<8x32x32xf32, #tpu.memory_space<hbm>>) target(%arg4 : memref<8x32x32xf32, #tpu.memory_space<vmem>>) target_semaphore(%arg8 : memref<!tpu.dma_semaphore, #tpu.memory_space<semaphore_mem>>)
      } else {
      }
      %dma_wait3A_58 = arith.constant 0 : i32
      %dma_wait3A_59 = arith.constant 0 : i32
      %dma_wait3A_60 = arith.constant 0 : i32
      %dma_wait3A_61 = tpu.memref_slice %arg2[%dma_wait3A_58, %dma_wait3A_59, %dma_wait3A_60] : memref<12288x32x32xf32, #tpu.memory_space<hbm>> -> memref<8x32x32xf32, #tpu.memory_space<hbm>>
      %dma_wait3A_62 = arith.constant 0 : i32
      %dma_wait3A_63 = arith.constant 0 : i32
      %dma_wait3A_64 = arith.constant 0 : i32
      %dma_wait3A_65 = tpu.memref_slice %arg2[%dma_wait3A_62, %dma_wait3A_63, %dma_wait3A_64] : memref<12288x32x32xf32, #tpu.memory_space<hbm>> -> memref<8x32x32xf32, #tpu.memory_space<hbm>>
      tpu.wait_dma2 semaphore(%arg9 : memref<!tpu.dma_semaphore, #tpu.memory_space<semaphore_mem>>) src(%dma_wait3A_65 : memref<8x32x32xf32, #tpu.memory_space<hbm>>) dst(%arg5 : memref<8x32x32xf32, #tpu.memory_space<vmem>>)
      %add3A_66 = arith.constant 1 : i32
      %add3A_67 = arith.addi %mul3A_29, %add3A_66 : i32
      %scan3A_68 = arith.constant 0 : i32
      %scan3A_69 = arith.constant 8 : i32
      %scan3A_70 = arith.addi %scan3A_68, %scan3A_69 : i32
      %scan3A_71 = arith.constant 1 : i32
      %scan3A_72 = scf.for %scan3A_77 = %scan3A_68 to %scan3A_70 step %scan3A_71 iter_args(%scan3A_78 = %scan3A_52) -> (vector<16xf32>)  : i32 {
        %parallel_loop3A = arith.constant 0 : i32
        %parallel_loop3A_79 = arith.constant 32 : i32
        %parallel_loop3A_80 = arith.constant 2 : i32
        scf.for %parallel_loop3A_496 = %parallel_loop3A to %parallel_loop3A_79 step %parallel_loop3A_80  : i32 {
          %parallel_loop3A_497 = arith.constant 0 : i32
          %parallel_loop3A_498 = arith.addi %parallel_loop3A_496, %parallel_loop3A_497 : i32
          %parallel_loop3A_499 = arith.index_cast %scan3A_77 : i32 to index
          %parallel_loop3A_500 = arith.index_cast %parallel_loop3A_498 : i32 to index
          %parallel_loop3A_501 = arith.constant 0 : index
          %parallel_loop3A_502 = tpu.vector_load %arg5[%parallel_loop3A_499, %parallel_loop3A_500, %parallel_loop3A_501] {strides = array<i32>} : memref<8x32x32xf32, #tpu.memory_space<vmem>>, vector<16xf32>,
          %parallel_loop3A_503 = arith.constant -5.000000e+00 : f32
          %parallel_loop3A_504 = vector.broadcast %parallel_loop3A_503 : f32 to vector<16xf32>
          %parallel_loop3A_505 = arith.subf %parallel_loop3A_502, %parallel_loop3A_504 : vector<16xf32>
          %parallel_loop3A_506 = arith.constant 2.560000e+01 : f32
          %parallel_loop3A_507 = vector.broadcast %parallel_loop3A_506 : f32 to vector<16xf32>
          %parallel_loop3A_508 = arith.mulf %parallel_loop3A_505, %parallel_loop3A_507 : vector<16xf32>
          %parallel_loop3A_509 = arith.constant 0.000000e+00 : f32
          %parallel_loop3A_510 = vector.broadcast %parallel_loop3A_509 : f32 to vector<16xf32>
          %parallel_loop3A_511 = arith.maximumf %parallel_loop3A_508, %parallel_loop3A_510 : vector<16xf32>
          %parallel_loop3A_512 = arith.constant 2.550000e+02 : f32
          %parallel_loop3A_513 = vector.broadcast %parallel_loop3A_512 : f32 to vector<16xf32>
          %parallel_loop3A_514 = arith.minimumf %parallel_loop3A_511, %parallel_loop3A_513 : vector<16xf32>
          %parallel_loop3A_515 = arith.fptosi %parallel_loop3A_514 : vector<16xf32> to vector<16xi32>
          tpu.vector_store_idx %arg6[%parallel_loop3A_515], %broadcast_in_dim3A_5 {add = true} : memref<256xf32, #tpu.memory_space<vmem>>[vector<16xi32>], vector<16xf32>,
          %parallel_loop3A_516 = arith.constant 0 : i32
          %parallel_loop3A_517 = arith.addi %parallel_loop3A_496, %parallel_loop3A_516 : i32
          %parallel_loop3A_518 = arith.index_cast %scan3A_77 : i32 to index
          %parallel_loop3A_519 = arith.index_cast %parallel_loop3A_517 : i32 to index
          %parallel_loop3A_520 = arith.constant 16 : index
          %parallel_loop3A_521 = tpu.vector_load %arg5[%parallel_loop3A_518, %parallel_loop3A_519, %parallel_loop3A_520] {strides = array<i32>} : memref<8x32x32xf32, #tpu.memory_space<vmem>>, vector<16xf32>,
          %parallel_loop3A_522 = arith.constant -5.000000e+00 : f32
          %parallel_loop3A_523 = vector.broadcast %parallel_loop3A_522 : f32 to vector<16xf32>
          %parallel_loop3A_524 = arith.subf %parallel_loop3A_521, %parallel_loop3A_523 : vector<16xf32>
          %parallel_loop3A_525 = arith.constant 2.560000e+01 : f32
          %parallel_loop3A_526 = vector.broadcast %parallel_loop3A_525 : f32 to vector<16xf32>
          %parallel_loop3A_527 = arith.mulf %parallel_loop3A_524, %parallel_loop3A_526 : vector<16xf32>
          %parallel_loop3A_528 = arith.constant 0.000000e+00 : f32
          %parallel_loop3A_529 = vector.broadcast %parallel_loop3A_528 : f32 to vector<16xf32>
          %parallel_loop3A_530 = arith.maximumf %parallel_loop3A_527, %parallel_loop3A_529 : vector<16xf32>
          %parallel_loop3A_531 = arith.constant 2.550000e+02 : f32
          %parallel_loop3A_532 = vector.broadcast %parallel_loop3A_531 : f32 to vector<16xf32>
          %parallel_loop3A_533 = arith.minimumf %parallel_loop3A_530, %parallel_loop3A_532 : vector<16xf32>
          %parallel_loop3A_534 = arith.fptosi %parallel_loop3A_533 : vector<16xf32> to vector<16xi32>
          tpu.vector_store_idx %arg6[%parallel_loop3A_534], %broadcast_in_dim3A_5 {add = true} : memref<256xf32, #tpu.memory_space<vmem>>[vector<16xi32>], vector<16xf32>,
          %parallel_loop3A_535 = arith.constant 1 : i32
          %parallel_loop3A_536 = arith.addi %parallel_loop3A_496, %parallel_loop3A_535 : i32
          %parallel_loop3A_537 = arith.index_cast %scan3A_77 : i32 to index
          %parallel_loop3A_538 = arith.index_cast %parallel_loop3A_536 : i32 to index
          %parallel_loop3A_539 = arith.constant 0 : index
          %parallel_loop3A_540 = tpu.vector_load %arg5[%parallel_loop3A_537, %parallel_loop3A_538, %parallel_loop3A_539] {strides = array<i32>} : memref<8x32x32xf32, #tpu.memory_space<vmem>>, vector<16xf32>,
          %parallel_loop3A_541 = arith.constant -5.000000e+00 : f32
          %parallel_loop3A_542 = vector.broadcast %parallel_loop3A_541 : f32 to vector<16xf32>
          %parallel_loop3A_543 = arith.subf %parallel_loop3A_540, %parallel_loop3A_542 : vector<16xf32>
          %parallel_loop3A_544 = arith.constant 2.560000e+01 : f32
          %parallel_loop3A_545 = vector.broadcast %parallel_loop3A_544 : f32 to vector<16xf32>
          %parallel_loop3A_546 = arith.mulf %parallel_loop3A_543, %parallel_loop3A_545 : vector<16xf32>
          %parallel_loop3A_547 = arith.constant 0.000000e+00 : f32
          %parallel_loop3A_548 = vector.broadcast %parallel_loop3A_547 : f32 to vector<16xf32>
          %parallel_loop3A_549 = arith.maximumf %parallel_loop3A_546, %parallel_loop3A_548 : vector<16xf32>
          %parallel_loop3A_550 = arith.constant 2.550000e+02 : f32
          %parallel_loop3A_551 = vector.broadcast %parallel_loop3A_550 : f32 to vector<16xf32>
          %parallel_loop3A_552 = arith.minimumf %parallel_loop3A_549, %parallel_loop3A_551 : vector<16xf32>
          %parallel_loop3A_553 = arith.fptosi %parallel_loop3A_552 : vector<16xf32> to vector<16xi32>
          tpu.vector_store_idx %arg6[%parallel_loop3A_553], %broadcast_in_dim3A_5 {add = true} : memref<256xf32, #tpu.memory_space<vmem>>[vector<16xi32>], vector<16xf32>,
          %parallel_loop3A_554 = arith.constant 1 : i32
          %parallel_loop3A_555 = arith.addi %parallel_loop3A_496, %parallel_loop3A_554 : i32
          %parallel_loop3A_556 = arith.index_cast %scan3A_77 : i32 to index
          %parallel_loop3A_557 = arith.index_cast %parallel_loop3A_555 : i32 to index
          %parallel_loop3A_558 = arith.constant 16 : index
          %parallel_loop3A_559 = tpu.vector_load %arg5[%parallel_loop3A_556, %parallel_loop3A_557, %parallel_loop3A_558] {strides = array<i32>} : memref<8x32x32xf32, #tpu.memory_space<vmem>>, vector<16xf32>,
          %parallel_loop3A_560 = arith.constant -5.000000e+00 : f32
          %parallel_loop3A_561 = vector.broadcast %parallel_loop3A_560 : f32 to vector<16xf32>
          %parallel_loop3A_562 = arith.subf %parallel_loop3A_559, %parallel_loop3A_561 : vector<16xf32>
          %parallel_loop3A_563 = arith.constant 2.560000e+01 : f32
          %parallel_loop3A_564 = vector.broadcast %parallel_loop3A_563 : f32 to vector<16xf32>
          %parallel_loop3A_565 = arith.mulf %parallel_loop3A_562, %parallel_loop3A_564 : vector<16xf32>
          %parallel_loop3A_566 = arith.constant 0.000000e+00 : f32
          %parallel_loop3A_567 = vector.broadcast %parallel_loop3A_566 : f32 to vector<16xf32>
          %parallel_loop3A_568 = arith.maximumf %parallel_loop3A_565, %parallel_loop3A_567 : vector<16xf32>
          %parallel_loop3A_569 = arith.constant 2.550000e+02 : f32
          %parallel_loop3A_570 = vector.broadcast %parallel_loop3A_569 : f32 to vector<16xf32>
          %parallel_loop3A_571 = arith.minimumf %parallel_loop3A_568, %parallel_loop3A_570 : vector<16xf32>
          %parallel_loop3A_572 = arith.fptosi %parallel_loop3A_571 : vector<16xf32> to vector<16xi32>
          tpu.vector_store_idx %arg6[%parallel_loop3A_572], %broadcast_in_dim3A_5 {add = true} : memref<256xf32, #tpu.memory_space<vmem>>[vector<16xi32>], vector<16xf32>,
        } {sc.loop_unroll_factor = 4 : i64, sc.parallel_access}
        %add3A_81 = arith.constant 0 : i32
        %add3A_82 = vector.broadcast %add3A_81 : i32 to vector<16xi32>
        %add3A_83 = arith.addi %mul3A_8, %add3A_82 : vector<16xi32>
        %gather3A = tpu.vector_load_idx %arg6[%add3A_83] : memref<256xf32, #tpu.memory_space<vmem>>[vector<16xi32>], vector<16xf32>,
        %add3A_84 = arith.constant 1 : i32
        %add3A_85 = vector.broadcast %add3A_84 : i32 to vector<16xi32>
        %add3A_86 = arith.addi %mul3A_8, %add3A_85 : vector<16xi32>
        %gather3A_87 = tpu.vector_load_idx %arg6[%add3A_86] : memref<256xf32, #tpu.memory_space<vmem>>[vector<16xi32>], vector<16xf32>,
        %add3A_88 = arith.constant 2 : i32
        %add3A_89 = vector.broadcast %add3A_88 : i32 to vector<16xi32>
        %add3A_90 = arith.addi %mul3A_8, %add3A_89 : vector<16xi32>
        %gather3A_91 = tpu.vector_load_idx %arg6[%add3A_90] : memref<256xf32, #tpu.memory_space<vmem>>[vector<16xi32>], vector<16xf32>,
        %add3A_92 = arith.constant 3 : i32
        %add3A_93 = vector.broadcast %add3A_92 : i32 to vector<16xi32>
        %add3A_94 = arith.addi %mul3A_8, %add3A_93 : vector<16xi32>
        %gather3A_95 = tpu.vector_load_idx %arg6[%add3A_94] : memref<256xf32, #tpu.memory_space<vmem>>[vector<16xi32>], vector<16xf32>,
        %add3A_96 = arith.constant 4 : i32
        %add3A_97 = vector.broadcast %add3A_96 : i32 to vector<16xi32>
        %add3A_98 = arith.addi %mul3A_8, %add3A_97 : vector<16xi32>
        %gather3A_99 = tpu.vector_load_idx %arg6[%add3A_98] : memref<256xf32, #tpu.memory_space<vmem>>[vector<16xi32>], vector<16xf32>,
        %add3A_100 = arith.constant 5 : i32
        %add3A_101 = vector.broadcast %add3A_100 : i32 to vector<16xi32>
        %add3A_102 = arith.addi %mul3A_8, %add3A_101 : vector<16xi32>
        %gather3A_103 = tpu.vector_load_idx %arg6[%add3A_102] : memref<256xf32, #tpu.memory_space<vmem>>[vector<16xi32>], vector<16xf32>,
        %add3A_104 = arith.constant 6 : i32
        %add3A_105 = vector.broadcast %add3A_104 : i32 to vector<16xi32>
        %add3A_106 = arith.addi %mul3A_8, %add3A_105 : vector<16xi32>
        %gather3A_107 = tpu.vector_load_idx %arg6[%add3A_106] : memref<256xf32, #tpu.memory_space<vmem>>[vector<16xi32>], vector<16xf32>,
        %add3A_108 = arith.constant 7 : i32
        %add3A_109 = vector.broadcast %add3A_108 : i32 to vector<16xi32>
        %add3A_110 = arith.addi %mul3A_8, %add3A_109 : vector<16xi32>
        %gather3A_111 = tpu.vector_load_idx %arg6[%add3A_110] : memref<256xf32, #tpu.memory_space<vmem>>[vector<16xi32>], vector<16xf32>,
        %add3A_112 = arith.constant 8 : i32
        %add3A_113 = vector.broadcast %add3A_112 : i32 to vector<16xi32>
        %add3A_114 = arith.addi %mul3A_8, %add3A_113 : vector<16xi32>
        %gather3A_115 = tpu.vector_load_idx %arg6[%add3A_114] : memref<256xf32, #tpu.memory_space<vmem>>[vector<16xi32>], vector<16xf32>,
        %add3A_116 = arith.constant 9 : i32
        %add3A_117 = vector.broadcast %add3A_116 : i32 to vector<16xi32>
        %add3A_118 = arith.addi %mul3A_8, %add3A_117 : vector<16xi32>
        %gather3A_119 = tpu.vector_load_idx %arg6[%add3A_118] : memref<256xf32, #tpu.memory_space<vmem>>[vector<16xi32>], vector<16xf32>,
        %add3A_120 = arith.constant 10 : i32
        %add3A_121 = vector.broadcast %add3A_120 : i32 to vector<16xi32>
        %add3A_122 = arith.addi %mul3A_8, %add3A_121 : vector<16xi32>
        %gather3A_123 = tpu.vector_load_idx %arg6[%add3A_122] : memref<256xf32, #tpu.memory_space<vmem>>[vector<16xi32>], vector<16xf32>,
        %add3A_124 = arith.constant 11 : i32
        %add3A_125 = vector.broadcast %add3A_124 : i32 to vector<16xi32>
        %add3A_126 = arith.addi %mul3A_8, %add3A_125 : vector<16xi32>
        %gather3A_127 = tpu.vector_load_idx %arg6[%add3A_126] : memref<256xf32, #tpu.memory_space<vmem>>[vector<16xi32>], vector<16xf32>,
        %add3A_128 = arith.constant 12 : i32
        %add3A_129 = vector.broadcast %add3A_128 : i32 to vector<16xi32>
        %add3A_130 = arith.addi %mul3A_8, %add3A_129 : vector<16xi32>
        %gather3A_131 = tpu.vector_load_idx %arg6[%add3A_130] : memref<256xf32, #tpu.memory_space<vmem>>[vector<16xi32>], vector<16xf32>,
        %add3A_132 = arith.constant 13 : i32
        %add3A_133 = vector.broadcast %add3A_132 : i32 to vector<16xi32>
        %add3A_134 = arith.addi %mul3A_8, %add3A_133 : vector<16xi32>
        %gather3A_135 = tpu.vector_load_idx %arg6[%add3A_134] : memref<256xf32, #tpu.memory_space<vmem>>[vector<16xi32>], vector<16xf32>,
        %add3A_136 = arith.constant 14 : i32
        %add3A_137 = vector.broadcast %add3A_136 : i32 to vector<16xi32>
        %add3A_138 = arith.addi %mul3A_8, %add3A_137 : vector<16xi32>
        %gather3A_139 = tpu.vector_load_idx %arg6[%add3A_138] : memref<256xf32, #tpu.memory_space<vmem>>[vector<16xi32>], vector<16xf32>,
        %add3A_140 = arith.constant 15 : i32
        %add3A_141 = vector.broadcast %add3A_140 : i32 to vector<16xi32>
        %add3A_142 = arith.addi %mul3A_8, %add3A_141 : vector<16xi32>
        %gather3A_143 = tpu.vector_load_idx %arg6[%add3A_142] : memref<256xf32, #tpu.memory_space<vmem>>[vector<16xi32>], vector<16xf32>,
        %add3A_144 = arith.addf %gather3A, %gather3A_87 : vector<16xf32>
        %add3A_145 = arith.addf %gather3A_91, %gather3A_95 : vector<16xf32>
        %add3A_146 = arith.addf %gather3A_99, %gather3A_103 : vector<16xf32>
        %add3A_147 = arith.addf %gather3A_107, %gather3A_111 : vector<16xf32>
        %add3A_148 = arith.addf %gather3A_115, %gather3A_119 : vector<16xf32>
        %add3A_149 = arith.addf %gather3A_123, %gather3A_127 : vector<16xf32>
        %add3A_150 = arith.addf %gather3A_131, %gather3A_135 : vector<16xf32>
        %add3A_151 = arith.addf %gather3A_139, %gather3A_143 : vector<16xf32>
        %add3A_152 = arith.addf %add3A_144, %add3A_145 : vector<16xf32>
        %add3A_153 = arith.addf %add3A_146, %add3A_147 : vector<16xf32>
        %add3A_154 = arith.addf %add3A_148, %add3A_149 : vector<16xf32>
        %add3A_155 = arith.addf %add3A_150, %add3A_151 : vector<16xf32>
        %add3A_156 = arith.addf %add3A_152, %add3A_153 : vector<16xf32>
        %add3A_157 = arith.addf %add3A_154, %add3A_155 : vector<16xf32>
        %add3A_158 = arith.addf %add3A_156, %add3A_157 : vector<16xf32>
        %broadcast_in_dim3A_159 = arith.constant true
        %broadcast_in_dim3A_160 = vector.broadcast %broadcast_in_dim3A_159 : i1 to vector<16xi1>
        %masked_cumsum3A = tpu.scan <sum>, %add3A_158 masked %broadcast_in_dim3A_160 : vector<16xf32>, vector<16xi1> -> vector<16xf32>
        %sub3A = arith.subf %masked_cumsum3A, %add3A_158 : vector<16xf32>
        %get3A = arith.constant 0 : index
        %get3A_161 = tpu.vector_load %arg6[%get3A] {strides = array<i32>} : memref<256xf32, #tpu.memory_space<vmem>>, vector<16xf32>,
        %swap3A_162 = arith.constant 0 : index
        %swap3A_163 = tpu.vector_load %arg6[%swap3A_162] {strides = array<i32>} : memref<256xf32, #tpu.memory_space<vmem>>, vector<16xf32>,
        tpu.vector_store %arg6[%swap3A_162], %broadcast_in_dim3A_3 {strides = array<i32>} : memref<256xf32, #tpu.memory_space<vmem>>, vector<16xf32>,
        %slice3A = vector.extract_strided_slice %sub3A {offsets = [0], sizes = [1], strides = [1]} : vector<16xf32> to vector<1xf32>
        %squeeze3A = vector.extract %slice3A[0] : f32 from vector<1xf32>
        %broadcast_in_dim3A_164 = vector.broadcast %squeeze3A : f32 to vector<16xf32>
        %broadcast_in_dim3A_165 = arith.constant true
        %broadcast_in_dim3A_166 = vector.broadcast %broadcast_in_dim3A_165 : i1 to vector<16xi1>
        %masked_cumsum3A_167 = tpu.scan <sum>, %get3A_161 masked %broadcast_in_dim3A_166 : vector<16xf32>, vector<16xi1> -> vector<16xf32>
        %add3A_168 = arith.addf %masked_cumsum3A_167, %broadcast_in_dim3A_164 : vector<16xf32>
        %sub3A_169 = arith.constant 1.024000e+03 : f32
        %sub3A_170 = vector.broadcast %sub3A_169 : f32 to vector<16xf32>
        %sub3A_171 = arith.subf %sub3A_170, %add3A_168 : vector<16xf32>
        %mul3A_172 = arith.constant -0.00100050028 : f32
        %mul3A_173 = vector.broadcast %mul3A_172 : f32 to vector<16xf32>
        %mul3A_174 = arith.mulf %sub3A_171, %mul3A_173 : vector<16xf32>
        %exp3A = math.exp %mul3A_174 : vector<16xf32>
        %add3A_175 = arith.addf %broadcast_in_dim3A_3, %exp3A : vector<16xf32>
        %get3A_176 = arith.constant 16 : index
        %get3A_177 = tpu.vector_load %arg6[%get3A_176] {strides = array<i32>} : memref<256xf32, #tpu.memory_space<vmem>>, vector<16xf32>,
        %swap3A_178 = arith.constant 16 : index
        %swap3A_179 = tpu.vector_load %arg6[%swap3A_178] {strides = array<i32>} : memref<256xf32, #tpu.memory_space<vmem>>, vector<16xf32>,
        tpu.vector_store %arg6[%swap3A_178], %broadcast_in_dim3A_3 {strides = array<i32>} : memref<256xf32, #tpu.memory_space<vmem>>, vector<16xf32>,
        %slice3A_180 = vector.extract_strided_slice %sub3A {offsets = [1], sizes = [1], strides = [1]} : vector<16xf32> to vector<1xf32>
        %squeeze3A_181 = vector.extract %slice3A_180[0] : f32 from vector<1xf32>
        %broadcast_in_dim3A_182 = vector.broadcast %squeeze3A_181 : f32 to vector<16xf32>
        %broadcast_in_dim3A_183 = arith.constant true
        %broadcast_in_dim3A_184 = vector.broadcast %broadcast_in_dim3A_183 : i1 to vector<16xi1>
        %masked_cumsum3A_185 = tpu.scan <sum>, %get3A_177 masked %broadcast_in_dim3A_184 : vector<16xf32>, vector<16xi1> -> vector<16xf32>
        %add3A_186 = arith.addf %masked_cumsum3A_185, %broadcast_in_dim3A_182 : vector<16xf32>
        %sub3A_187 = arith.constant 1.024000e+03 : f32
        %sub3A_188 = vector.broadcast %sub3A_187 : f32 to vector<16xf32>
        %sub3A_189 = arith.subf %sub3A_188, %add3A_186 : vector<16xf32>
        %mul3A_190 = arith.constant -0.00100050028 : f32
        %mul3A_191 = vector.broadcast %mul3A_190 : f32 to vector<16xf32>
        %mul3A_192 = arith.mulf %sub3A_189, %mul3A_191 : vector<16xf32>
        %exp3A_193 = math.exp %mul3A_192 : vector<16xf32>
        %add3A_194 = arith.addf %broadcast_in_dim3A_3, %exp3A_193 : vector<16xf32>
        %get3A_195 = arith.constant 32 : index
        %get3A_196 = tpu.vector_load %arg6[%get3A_195] {strides = array<i32>} : memref<256xf32, #tpu.memory_space<vmem>>, vector<16xf32>,
        %swap3A_197 = arith.constant 32 : index
        %swap3A_198 = tpu.vector_load %arg6[%swap3A_197] {strides = array<i32>} : memref<256xf32, #tpu.memory_space<vmem>>, vector<16xf32>,
        tpu.vector_store %arg6[%swap3A_197], %broadcast_in_dim3A_3 {strides = array<i32>} : memref<256xf32, #tpu.memory_space<vmem>>, vector<16xf32>,
        %slice3A_199 = vector.extract_strided_slice %sub3A {offsets = [2], sizes = [1], strides = [1]} : vector<16xf32> to vector<1xf32>
        %squeeze3A_200 = vector.extract %slice3A_199[0] : f32 from vector<1xf32>
        %broadcast_in_dim3A_201 = vector.broadcast %squeeze3A_200 : f32 to vector<16xf32>
        %broadcast_in_dim3A_202 = arith.constant true
        %broadcast_in_dim3A_203 = vector.broadcast %broadcast_in_dim3A_202 : i1 to vector<16xi1>
        %masked_cumsum3A_204 = tpu.scan <sum>, %get3A_196 masked %broadcast_in_dim3A_203 : vector<16xf32>, vector<16xi1> -> vector<16xf32>
        %add3A_205 = arith.addf %masked_cumsum3A_204, %broadcast_in_dim3A_201 : vector<16xf32>
        %sub3A_206 = arith.constant 1.024000e+03 : f32
        %sub3A_207 = vector.broadcast %sub3A_206 : f32 to vector<16xf32>
        %sub3A_208 = arith.subf %sub3A_207, %add3A_205 : vector<16xf32>
        %mul3A_209 = arith.constant -0.00100050028 : f32
        %mul3A_210 = vector.broadcast %mul3A_209 : f32 to vector<16xf32>
        %mul3A_211 = arith.mulf %sub3A_208, %mul3A_210 : vector<16xf32>
        %exp3A_212 = math.exp %mul3A_211 : vector<16xf32>
        %add3A_213 = arith.addf %broadcast_in_dim3A_3, %exp3A_212 : vector<16xf32>
        %get3A_214 = arith.constant 48 : index
        %get3A_215 = tpu.vector_load %arg6[%get3A_214] {strides = array<i32>} : memref<256xf32, #tpu.memory_space<vmem>>, vector<16xf32>,
        %swap3A_216 = arith.constant 48 : index
        %swap3A_217 = tpu.vector_load %arg6[%swap3A_216] {strides = array<i32>} : memref<256xf32, #tpu.memory_space<vmem>>, vector<16xf32>,
        tpu.vector_store %arg6[%swap3A_216], %broadcast_in_dim3A_3 {strides = array<i32>} : memref<256xf32, #tpu.memory_space<vmem>>, vector<16xf32>,
        %slice3A_218 = vector.extract_strided_slice %sub3A {offsets = [3], sizes = [1], strides = [1]} : vector<16xf32> to vector<1xf32>
        %squeeze3A_219 = vector.extract %slice3A_218[0] : f32 from vector<1xf32>
        %broadcast_in_dim3A_220 = vector.broadcast %squeeze3A_219 : f32 to vector<16xf32>
        %broadcast_in_dim3A_221 = arith.constant true
        %broadcast_in_dim3A_222 = vector.broadcast %broadcast_in_dim3A_221 : i1 to vector<16xi1>
        %masked_cumsum3A_223 = tpu.scan <sum>, %get3A_215 masked %broadcast_in_dim3A_222 : vector<16xf32>, vector<16xi1> -> vector<16xf32>
        %add3A_224 = arith.addf %masked_cumsum3A_223, %broadcast_in_dim3A_220 : vector<16xf32>
        %sub3A_225 = arith.constant 1.024000e+03 : f32
        %sub3A_226 = vector.broadcast %sub3A_225 : f32 to vector<16xf32>
        %sub3A_227 = arith.subf %sub3A_226, %add3A_224 : vector<16xf32>
        %mul3A_228 = arith.constant -0.00100050028 : f32
        %mul3A_229 = vector.broadcast %mul3A_228 : f32 to vector<16xf32>
        %mul3A_230 = arith.mulf %sub3A_227, %mul3A_229 : vector<16xf32>
        %exp3A_231 = math.exp %mul3A_230 : vector<16xf32>
        %add3A_232 = arith.addf %broadcast_in_dim3A_3, %exp3A_231 : vector<16xf32>
        %get3A_233 = arith.constant 64 : index
        %get3A_234 = tpu.vector_load %arg6[%get3A_233] {strides = array<i32>} : memref<256xf32, #tpu.memory_space<vmem>>, vector<16xf32>,
        %swap3A_235 = arith.constant 64 : index
        %swap3A_236 = tpu.vector_load %arg6[%swap3A_235] {strides = array<i32>} : memref<256xf32, #tpu.memory_space<vmem>>, vector<16xf32>,
        tpu.vector_store %arg6[%swap3A_235], %broadcast_in_dim3A_3 {strides = array<i32>} : memref<256xf32, #tpu.memory_space<vmem>>, vector<16xf32>,
        %slice3A_237 = vector.extract_strided_slice %sub3A {offsets = [4], sizes = [1], strides = [1]} : vector<16xf32> to vector<1xf32>
        %squeeze3A_238 = vector.extract %slice3A_237[0] : f32 from vector<1xf32>
        %broadcast_in_dim3A_239 = vector.broadcast %squeeze3A_238 : f32 to vector<16xf32>
        %broadcast_in_dim3A_240 = arith.constant true
        %broadcast_in_dim3A_241 = vector.broadcast %broadcast_in_dim3A_240 : i1 to vector<16xi1>
        %masked_cumsum3A_242 = tpu.scan <sum>, %get3A_234 masked %broadcast_in_dim3A_241 : vector<16xf32>, vector<16xi1> -> vector<16xf32>
        %add3A_243 = arith.addf %masked_cumsum3A_242, %broadcast_in_dim3A_239 : vector<16xf32>
        %sub3A_244 = arith.constant 1.024000e+03 : f32
        %sub3A_245 = vector.broadcast %sub3A_244 : f32 to vector<16xf32>
        %sub3A_246 = arith.subf %sub3A_245, %add3A_243 : vector<16xf32>
        %mul3A_247 = arith.constant -0.00100050028 : f32
        %mul3A_248 = vector.broadcast %mul3A_247 : f32 to vector<16xf32>
        %mul3A_249 = arith.mulf %sub3A_246, %mul3A_248 : vector<16xf32>
        %exp3A_250 = math.exp %mul3A_249 : vector<16xf32>
        %add3A_251 = arith.addf %add3A_175, %exp3A_250 : vector<16xf32>
        %get3A_252 = arith.constant 80 : index
        %get3A_253 = tpu.vector_load %arg6[%get3A_252] {strides = array<i32>} : memref<256xf32, #tpu.memory_space<vmem>>, vector<16xf32>,
        %swap3A_254 = arith.constant 80 : index
        %swap3A_255 = tpu.vector_load %arg6[%swap3A_254] {strides = array<i32>} : memref<256xf32, #tpu.memory_space<vmem>>, vector<16xf32>,
        tpu.vector_store %arg6[%swap3A_254], %broadcast_in_dim3A_3 {strides = array<i32>} : memref<256xf32, #tpu.memory_space<vmem>>, vector<16xf32>,
        %slice3A_256 = vector.extract_strided_slice %sub3A {offsets = [5], sizes = [1], strides = [1]} : vector<16xf32> to vector<1xf32>
        %squeeze3A_257 = vector.extract %slice3A_256[0] : f32 from vector<1xf32>
        %broadcast_in_dim3A_258 = vector.broadcast %squeeze3A_257 : f32 to vector<16xf32>
        %broadcast_in_dim3A_259 = arith.constant true
        %broadcast_in_dim3A_260 = vector.broadcast %broadcast_in_dim3A_259 : i1 to vector<16xi1>
        %masked_cumsum3A_261 = tpu.scan <sum>, %get3A_253 masked %broadcast_in_dim3A_260 : vector<16xf32>, vector<16xi1> -> vector<16xf32>
        %add3A_262 = arith.addf %masked_cumsum3A_261, %broadcast_in_dim3A_258 : vector<16xf32>
        %sub3A_263 = arith.constant 1.024000e+03 : f32
        %sub3A_264 = vector.broadcast %sub3A_263 : f32 to vector<16xf32>
        %sub3A_265 = arith.subf %sub3A_264, %add3A_262 : vector<16xf32>
        %mul3A_266 = arith.constant -0.00100050028 : f32
        %mul3A_267 = vector.broadcast %mul3A_266 : f32 to vector<16xf32>
        %mul3A_268 = arith.mulf %sub3A_265, %mul3A_267 : vector<16xf32>
        %exp3A_269 = math.exp %mul3A_268 : vector<16xf32>
        %add3A_270 = arith.addf %add3A_194, %exp3A_269 : vector<16xf32>
        %get3A_271 = arith.constant 96 : index
        %get3A_272 = tpu.vector_load %arg6[%get3A_271] {strides = array<i32>} : memref<256xf32, #tpu.memory_space<vmem>>, vector<16xf32>,
        %swap3A_273 = arith.constant 96 : index
        %swap3A_274 = tpu.vector_load %arg6[%swap3A_273] {strides = array<i32>} : memref<256xf32, #tpu.memory_space<vmem>>, vector<16xf32>,
        tpu.vector_store %arg6[%swap3A_273], %broadcast_in_dim3A_3 {strides = array<i32>} : memref<256xf32, #tpu.memory_space<vmem>>, vector<16xf32>,
        %slice3A_275 = vector.extract_strided_slice %sub3A {offsets = [6], sizes = [1], strides = [1]} : vector<16xf32> to vector<1xf32>
        %squeeze3A_276 = vector.extract %slice3A_275[0] : f32 from vector<1xf32>
        %broadcast_in_dim3A_277 = vector.broadcast %squeeze3A_276 : f32 to vector<16xf32>
        %broadcast_in_dim3A_278 = arith.constant true
        %broadcast_in_dim3A_279 = vector.broadcast %broadcast_in_dim3A_278 : i1 to vector<16xi1>
        %masked_cumsum3A_280 = tpu.scan <sum>, %get3A_272 masked %broadcast_in_dim3A_279 : vector<16xf32>, vector<16xi1> -> vector<16xf32>
        %add3A_281 = arith.addf %masked_cumsum3A_280, %broadcast_in_dim3A_277 : vector<16xf32>
        %sub3A_282 = arith.constant 1.024000e+03 : f32
        %sub3A_283 = vector.broadcast %sub3A_282 : f32 to vector<16xf32>
        %sub3A_284 = arith.subf %sub3A_283, %add3A_281 : vector<16xf32>
        %mul3A_285 = arith.constant -0.00100050028 : f32
        %mul3A_286 = vector.broadcast %mul3A_285 : f32 to vector<16xf32>
        %mul3A_287 = arith.mulf %sub3A_284, %mul3A_286 : vector<16xf32>
        %exp3A_288 = math.exp %mul3A_287 : vector<16xf32>
        %add3A_289 = arith.addf %add3A_213, %exp3A_288 : vector<16xf32>
        %get3A_290 = arith.constant 112 : index
        %get3A_291 = tpu.vector_load %arg6[%get3A_290] {strides = array<i32>} : memref<256xf32, #tpu.memory_space<vmem>>, vector<16xf32>,
        %swap3A_292 = arith.constant 112 : index
        %swap3A_293 = tpu.vector_load %arg6[%swap3A_292] {strides = array<i32>} : memref<256xf32, #tpu.memory_space<vmem>>, vector<16xf32>,
        tpu.vector_store %arg6[%swap3A_292], %broadcast_in_dim3A_3 {strides = array<i32>} : memref<256xf32, #tpu.memory_space<vmem>>, vector<16xf32>,
        %slice3A_294 = vector.extract_strided_slice %sub3A {offsets = [7], sizes = [1], strides = [1]} : vector<16xf32> to vector<1xf32>
        %squeeze3A_295 = vector.extract %slice3A_294[0] : f32 from vector<1xf32>
        %broadcast_in_dim3A_296 = vector.broadcast %squeeze3A_295 : f32 to vector<16xf32>
        %broadcast_in_dim3A_297 = arith.constant true
        %broadcast_in_dim3A_298 = vector.broadcast %broadcast_in_dim3A_297 : i1 to vector<16xi1>
        %masked_cumsum3A_299 = tpu.scan <sum>, %get3A_291 masked %broadcast_in_dim3A_298 : vector<16xf32>, vector<16xi1> -> vector<16xf32>
        %add3A_300 = arith.addf %masked_cumsum3A_299, %broadcast_in_dim3A_296 : vector<16xf32>
        %sub3A_301 = arith.constant 1.024000e+03 : f32
        %sub3A_302 = vector.broadcast %sub3A_301 : f32 to vector<16xf32>
        %sub3A_303 = arith.subf %sub3A_302, %add3A_300 : vector<16xf32>
        %mul3A_304 = arith.constant -0.00100050028 : f32
        %mul3A_305 = vector.broadcast %mul3A_304 : f32 to vector<16xf32>
        %mul3A_306 = arith.mulf %sub3A_303, %mul3A_305 : vector<16xf32>
        %exp3A_307 = math.exp %mul3A_306 : vector<16xf32>
        %add3A_308 = arith.addf %add3A_232, %exp3A_307 : vector<16xf32>
        %get3A_309 = arith.constant 128 : index
        %get3A_310 = tpu.vector_load %arg6[%get3A_309] {strides = array<i32>} : memref<256xf32, #tpu.memory_space<vmem>>, vector<16xf32>,
        %swap3A_311 = arith.constant 128 : index
        %swap3A_312 = tpu.vector_load %arg6[%swap3A_311] {strides = array<i32>} : memref<256xf32, #tpu.memory_space<vmem>>, vector<16xf32>,
        tpu.vector_store %arg6[%swap3A_311], %broadcast_in_dim3A_3 {strides = array<i32>} : memref<256xf32, #tpu.memory_space<vmem>>, vector<16xf32>,
        %slice3A_313 = vector.extract_strided_slice %sub3A {offsets = [8], sizes = [1], strides = [1]} : vector<16xf32> to vector<1xf32>
        %squeeze3A_314 = vector.extract %slice3A_313[0] : f32 from vector<1xf32>
        %broadcast_in_dim3A_315 = vector.broadcast %squeeze3A_314 : f32 to vector<16xf32>
        %broadcast_in_dim3A_316 = arith.constant true
        %broadcast_in_dim3A_317 = vector.broadcast %broadcast_in_dim3A_316 : i1 to vector<16xi1>
        %masked_cumsum3A_318 = tpu.scan <sum>, %get3A_310 masked %broadcast_in_dim3A_317 : vector<16xf32>, vector<16xi1> -> vector<16xf32>
        %add3A_319 = arith.addf %masked_cumsum3A_318, %broadcast_in_dim3A_315 : vector<16xf32>
        %sub3A_320 = arith.constant 1.024000e+03 : f32
        %sub3A_321 = vector.broadcast %sub3A_320 : f32 to vector<16xf32>
        %sub3A_322 = arith.subf %sub3A_321, %add3A_319 : vector<16xf32>
        %mul3A_323 = arith.constant -0.00100050028 : f32
        %mul3A_324 = vector.broadcast %mul3A_323 : f32 to vector<16xf32>
        %mul3A_325 = arith.mulf %sub3A_322, %mul3A_324 : vector<16xf32>
        %exp3A_326 = math.exp %mul3A_325 : vector<16xf32>
        %add3A_327 = arith.addf %add3A_251, %exp3A_326 : vector<16xf32>
        %get3A_328 = arith.constant 144 : index
        %get3A_329 = tpu.vector_load %arg6[%get3A_328] {strides = array<i32>} : memref<256xf32, #tpu.memory_space<vmem>>, vector<16xf32>,
        %swap3A_330 = arith.constant 144 : index
        %swap3A_331 = tpu.vector_load %arg6[%swap3A_330] {strides = array<i32>} : memref<256xf32, #tpu.memory_space<vmem>>, vector<16xf32>,
        tpu.vector_store %arg6[%swap3A_330], %broadcast_in_dim3A_3 {strides = array<i32>} : memref<256xf32, #tpu.memory_space<vmem>>, vector<16xf32>,
        %slice3A_332 = vector.extract_strided_slice %sub3A {offsets = [9], sizes = [1], strides = [1]} : vector<16xf32> to vector<1xf32>
        %squeeze3A_333 = vector.extract %slice3A_332[0] : f32 from vector<1xf32>
        %broadcast_in_dim3A_334 = vector.broadcast %squeeze3A_333 : f32 to vector<16xf32>
        %broadcast_in_dim3A_335 = arith.constant true
        %broadcast_in_dim3A_336 = vector.broadcast %broadcast_in_dim3A_335 : i1 to vector<16xi1>
        %masked_cumsum3A_337 = tpu.scan <sum>, %get3A_329 masked %broadcast_in_dim3A_336 : vector<16xf32>, vector<16xi1> -> vector<16xf32>
        %add3A_338 = arith.addf %masked_cumsum3A_337, %broadcast_in_dim3A_334 : vector<16xf32>
        %sub3A_339 = arith.constant 1.024000e+03 : f32
        %sub3A_340 = vector.broadcast %sub3A_339 : f32 to vector<16xf32>
        %sub3A_341 = arith.subf %sub3A_340, %add3A_338 : vector<16xf32>
        %mul3A_342 = arith.constant -0.00100050028 : f32
        %mul3A_343 = vector.broadcast %mul3A_342 : f32 to vector<16xf32>
        %mul3A_344 = arith.mulf %sub3A_341, %mul3A_343 : vector<16xf32>
        %exp3A_345 = math.exp %mul3A_344 : vector<16xf32>
        %add3A_346 = arith.addf %add3A_270, %exp3A_345 : vector<16xf32>
        %get3A_347 = arith.constant 160 : index
        %get3A_348 = tpu.vector_load %arg6[%get3A_347] {strides = array<i32>} : memref<256xf32, #tpu.memory_space<vmem>>, vector<16xf32>,
        %swap3A_349 = arith.constant 160 : index
        %swap3A_350 = tpu.vector_load %arg6[%swap3A_349] {strides = array<i32>} : memref<256xf32, #tpu.memory_space<vmem>>, vector<16xf32>,
        tpu.vector_store %arg6[%swap3A_349], %broadcast_in_dim3A_3 {strides = array<i32>} : memref<256xf32, #tpu.memory_space<vmem>>, vector<16xf32>,
        %slice3A_351 = vector.extract_strided_slice %sub3A {offsets = [10], sizes = [1], strides = [1]} : vector<16xf32> to vector<1xf32>
        %squeeze3A_352 = vector.extract %slice3A_351[0] : f32 from vector<1xf32>
        %broadcast_in_dim3A_353 = vector.broadcast %squeeze3A_352 : f32 to vector<16xf32>
        %broadcast_in_dim3A_354 = arith.constant true
        %broadcast_in_dim3A_355 = vector.broadcast %broadcast_in_dim3A_354 : i1 to vector<16xi1>
        %masked_cumsum3A_356 = tpu.scan <sum>, %get3A_348 masked %broadcast_in_dim3A_355 : vector<16xf32>, vector<16xi1> -> vector<16xf32>
        %add3A_357 = arith.addf %masked_cumsum3A_356, %broadcast_in_dim3A_353 : vector<16xf32>
        %sub3A_358 = arith.constant 1.024000e+03 : f32
        %sub3A_359 = vector.broadcast %sub3A_358 : f32 to vector<16xf32>
        %sub3A_360 = arith.subf %sub3A_359, %add3A_357 : vector<16xf32>
        %mul3A_361 = arith.constant -0.00100050028 : f32
        %mul3A_362 = vector.broadcast %mul3A_361 : f32 to vector<16xf32>
        %mul3A_363 = arith.mulf %sub3A_360, %mul3A_362 : vector<16xf32>
        %exp3A_364 = math.exp %mul3A_363 : vector<16xf32>
        %add3A_365 = arith.addf %add3A_289, %exp3A_364 : vector<16xf32>
        %get3A_366 = arith.constant 176 : index
        %get3A_367 = tpu.vector_load %arg6[%get3A_366] {strides = array<i32>} : memref<256xf32, #tpu.memory_space<vmem>>, vector<16xf32>,
        %swap3A_368 = arith.constant 176 : index
        %swap3A_369 = tpu.vector_load %arg6[%swap3A_368] {strides = array<i32>} : memref<256xf32, #tpu.memory_space<vmem>>, vector<16xf32>,
        tpu.vector_store %arg6[%swap3A_368], %broadcast_in_dim3A_3 {strides = array<i32>} : memref<256xf32, #tpu.memory_space<vmem>>, vector<16xf32>,
        %slice3A_370 = vector.extract_strided_slice %sub3A {offsets = [11], sizes = [1], strides = [1]} : vector<16xf32> to vector<1xf32>
        %squeeze3A_371 = vector.extract %slice3A_370[0] : f32 from vector<1xf32>
        %broadcast_in_dim3A_372 = vector.broadcast %squeeze3A_371 : f32 to vector<16xf32>
        %broadcast_in_dim3A_373 = arith.constant true
        %broadcast_in_dim3A_374 = vector.broadcast %broadcast_in_dim3A_373 : i1 to vector<16xi1>
        %masked_cumsum3A_375 = tpu.scan <sum>, %get3A_367 masked %broadcast_in_dim3A_374 : vector<16xf32>, vector<16xi1> -> vector<16xf32>
        %add3A_376 = arith.addf %masked_cumsum3A_375, %broadcast_in_dim3A_372 : vector<16xf32>
        %sub3A_377 = arith.constant 1.024000e+03 : f32
        %sub3A_378 = vector.broadcast %sub3A_377 : f32 to vector<16xf32>
        %sub3A_379 = arith.subf %sub3A_378, %add3A_376 : vector<16xf32>
        %mul3A_380 = arith.constant -0.00100050028 : f32
        %mul3A_381 = vector.broadcast %mul3A_380 : f32 to vector<16xf32>
        %mul3A_382 = arith.mulf %sub3A_379, %mul3A_381 : vector<16xf32>
        %exp3A_383 = math.exp %mul3A_382 : vector<16xf32>
        %add3A_384 = arith.addf %add3A_308, %exp3A_383 : vector<16xf32>
        %get3A_385 = arith.constant 192 : index
        %get3A_386 = tpu.vector_load %arg6[%get3A_385] {strides = array<i32>} : memref<256xf32, #tpu.memory_space<vmem>>, vector<16xf32>,
        %swap3A_387 = arith.constant 192 : index
        %swap3A_388 = tpu.vector_load %arg6[%swap3A_387] {strides = array<i32>} : memref<256xf32, #tpu.memory_space<vmem>>, vector<16xf32>,
        tpu.vector_store %arg6[%swap3A_387], %broadcast_in_dim3A_3 {strides = array<i32>} : memref<256xf32, #tpu.memory_space<vmem>>, vector<16xf32>,
        %slice3A_389 = vector.extract_strided_slice %sub3A {offsets = [12], sizes = [1], strides = [1]} : vector<16xf32> to vector<1xf32>
        %squeeze3A_390 = vector.extract %slice3A_389[0] : f32 from vector<1xf32>
        %broadcast_in_dim3A_391 = vector.broadcast %squeeze3A_390 : f32 to vector<16xf32>
        %broadcast_in_dim3A_392 = arith.constant true
        %broadcast_in_dim3A_393 = vector.broadcast %broadcast_in_dim3A_392 : i1 to vector<16xi1>
        %masked_cumsum3A_394 = tpu.scan <sum>, %get3A_386 masked %broadcast_in_dim3A_393 : vector<16xf32>, vector<16xi1> -> vector<16xf32>
        %add3A_395 = arith.addf %masked_cumsum3A_394, %broadcast_in_dim3A_391 : vector<16xf32>
        %sub3A_396 = arith.constant 1.024000e+03 : f32
        %sub3A_397 = vector.broadcast %sub3A_396 : f32 to vector<16xf32>
        %sub3A_398 = arith.subf %sub3A_397, %add3A_395 : vector<16xf32>
        %mul3A_399 = arith.constant -0.00100050028 : f32
        %mul3A_400 = vector.broadcast %mul3A_399 : f32 to vector<16xf32>
        %mul3A_401 = arith.mulf %sub3A_398, %mul3A_400 : vector<16xf32>
        %exp3A_402 = math.exp %mul3A_401 : vector<16xf32>
        %add3A_403 = arith.addf %add3A_327, %exp3A_402 : vector<16xf32>
        %get3A_404 = arith.constant 208 : index
        %get3A_405 = tpu.vector_load %arg6[%get3A_404] {strides = array<i32>} : memref<256xf32, #tpu.memory_space<vmem>>, vector<16xf32>,
        %swap3A_406 = arith.constant 208 : index
        %swap3A_407 = tpu.vector_load %arg6[%swap3A_406] {strides = array<i32>} : memref<256xf32, #tpu.memory_space<vmem>>, vector<16xf32>,
        tpu.vector_store %arg6[%swap3A_406], %broadcast_in_dim3A_3 {strides = array<i32>} : memref<256xf32, #tpu.memory_space<vmem>>, vector<16xf32>,
        %slice3A_408 = vector.extract_strided_slice %sub3A {offsets = [13], sizes = [1], strides = [1]} : vector<16xf32> to vector<1xf32>
        %squeeze3A_409 = vector.extract %slice3A_408[0] : f32 from vector<1xf32>
        %broadcast_in_dim3A_410 = vector.broadcast %squeeze3A_409 : f32 to vector<16xf32>
        %broadcast_in_dim3A_411 = arith.constant true
        %broadcast_in_dim3A_412 = vector.broadcast %broadcast_in_dim3A_411 : i1 to vector<16xi1>
        %masked_cumsum3A_413 = tpu.scan <sum>, %get3A_405 masked %broadcast_in_dim3A_412 : vector<16xf32>, vector<16xi1> -> vector<16xf32>
        %add3A_414 = arith.addf %masked_cumsum3A_413, %broadcast_in_dim3A_410 : vector<16xf32>
        %sub3A_415 = arith.constant 1.024000e+03 : f32
        %sub3A_416 = vector.broadcast %sub3A_415 : f32 to vector<16xf32>
        %sub3A_417 = arith.subf %sub3A_416, %add3A_414 : vector<16xf32>
        %mul3A_418 = arith.constant -0.00100050028 : f32
        %mul3A_419 = vector.broadcast %mul3A_418 : f32 to vector<16xf32>
        %mul3A_420 = arith.mulf %sub3A_417, %mul3A_419 : vector<16xf32>
        %exp3A_421 = math.exp %mul3A_420 : vector<16xf32>
        %add3A_422 = arith.addf %add3A_346, %exp3A_421 : vector<16xf32>
        %get3A_423 = arith.constant 224 : index
        %get3A_424 = tpu.vector_load %arg6[%get3A_423] {strides = array<i32>} : memref<256xf32, #tpu.memory_space<vmem>>, vector<16xf32>,
        %swap3A_425 = arith.constant 224 : index
        %swap3A_426 = tpu.vector_load %arg6[%swap3A_425] {strides = array<i32>} : memref<256xf32, #tpu.memory_space<vmem>>, vector<16xf32>,
        tpu.vector_store %arg6[%swap3A_425], %broadcast_in_dim3A_3 {strides = array<i32>} : memref<256xf32, #tpu.memory_space<vmem>>, vector<16xf32>,
        %slice3A_427 = vector.extract_strided_slice %sub3A {offsets = [14], sizes = [1], strides = [1]} : vector<16xf32> to vector<1xf32>
        %squeeze3A_428 = vector.extract %slice3A_427[0] : f32 from vector<1xf32>
        %broadcast_in_dim3A_429 = vector.broadcast %squeeze3A_428 : f32 to vector<16xf32>
        %broadcast_in_dim3A_430 = arith.constant true
        %broadcast_in_dim3A_431 = vector.broadcast %broadcast_in_dim3A_430 : i1 to vector<16xi1>
        %masked_cumsum3A_432 = tpu.scan <sum>, %get3A_424 masked %broadcast_in_dim3A_431 : vector<16xf32>, vector<16xi1> -> vector<16xf32>
        %add3A_433 = arith.addf %masked_cumsum3A_432, %broadcast_in_dim3A_429 : vector<16xf32>
        %sub3A_434 = arith.constant 1.024000e+03 : f32
        %sub3A_435 = vector.broadcast %sub3A_434 : f32 to vector<16xf32>
        %sub3A_436 = arith.subf %sub3A_435, %add3A_433 : vector<16xf32>
        %mul3A_437 = arith.constant -0.00100050028 : f32
        %mul3A_438 = vector.broadcast %mul3A_437 : f32 to vector<16xf32>
        %mul3A_439 = arith.mulf %sub3A_436, %mul3A_438 : vector<16xf32>
        %exp3A_440 = math.exp %mul3A_439 : vector<16xf32>
        %add3A_441 = arith.addf %add3A_365, %exp3A_440 : vector<16xf32>
        %get3A_442 = arith.constant 240 : index
        %get3A_443 = tpu.vector_load %arg6[%get3A_442] {strides = array<i32>} : memref<256xf32, #tpu.memory_space<vmem>>, vector<16xf32>,
        %swap3A_444 = arith.constant 240 : index
        %swap3A_445 = tpu.vector_load %arg6[%swap3A_444] {strides = array<i32>} : memref<256xf32, #tpu.memory_space<vmem>>, vector<16xf32>,
        tpu.vector_store %arg6[%swap3A_444], %broadcast_in_dim3A_3 {strides = array<i32>} : memref<256xf32, #tpu.memory_space<vmem>>, vector<16xf32>,
        %slice3A_446 = vector.extract_strided_slice %sub3A {offsets = [15], sizes = [1], strides = [1]} : vector<16xf32> to vector<1xf32>
        %squeeze3A_447 = vector.extract %slice3A_446[0] : f32 from vector<1xf32>
        %broadcast_in_dim3A_448 = vector.broadcast %squeeze3A_447 : f32 to vector<16xf32>
        %broadcast_in_dim3A_449 = arith.constant true
        %broadcast_in_dim3A_450 = vector.broadcast %broadcast_in_dim3A_449 : i1 to vector<16xi1>
        %masked_cumsum3A_451 = tpu.scan <sum>, %get3A_443 masked %broadcast_in_dim3A_450 : vector<16xf32>, vector<16xi1> -> vector<16xf32>
        %add3A_452 = arith.addf %masked_cumsum3A_451, %broadcast_in_dim3A_448 : vector<16xf32>
        %sub3A_453 = arith.constant 1.024000e+03 : f32
        %sub3A_454 = vector.broadcast %sub3A_453 : f32 to vector<16xf32>
        %sub3A_455 = arith.subf %sub3A_454, %add3A_452 : vector<16xf32>
        %mul3A_456 = arith.constant -0.00100050028 : f32
        %mul3A_457 = vector.broadcast %mul3A_456 : f32 to vector<16xf32>
        %mul3A_458 = arith.mulf %sub3A_455, %mul3A_457 : vector<16xf32>
        %exp3A_459 = math.exp %mul3A_458 : vector<16xf32>
        %add3A_460 = arith.addf %add3A_384, %exp3A_459 : vector<16xf32>
        %add3A_461 = arith.addf %add3A_403, %add3A_422 : vector<16xf32>
        %add3A_462 = arith.addf %add3A_441, %add3A_460 : vector<16xf32>
        %add3A_463 = arith.addf %add3A_461, %add3A_462 : vector<16xf32>
        %reduce_sum3A = arith.constant true
        %reduce_sum3A_464 = vector.broadcast %reduce_sum3A : i1 to vector<16xi1>
        %reduce_sum3A_465 = tpu.scan <sum>, %add3A_463 masked %reduce_sum3A_464 : vector<16xf32>, vector<16xi1> -> vector<16xf32>
        %reduce_sum3A_466 = vector.extract %reduce_sum3A_465[15] : f32 from vector<16xf32>
        %broadcast_in_dim3A_467 = vector.broadcast %reduce_sum3A_466 : f32 to vector<16xf32>
        %sub3A_468 = arith.constant 1.000000e+00 : f32
        %sub3A_469 = vector.broadcast %sub3A_468 : f32 to vector<16xf32>
        %sub3A_470 = arith.subf %broadcast_in_dim3A_467, %sub3A_469 : vector<16xf32>
        %mul3A_471 = arith.constant 3.906250e-02 : f32
        %mul3A_472 = vector.broadcast %mul3A_471 : f32 to vector<16xf32>
        %mul3A_473 = arith.mulf %mul3A_472, %sub3A_470 : vector<16xf32>
        %sub3A_474 = arith.constant 6.76831484 : f32
        %sub3A_475 = vector.broadcast %sub3A_474 : f32 to vector<16xf32>
        %sub3A_476 = arith.subf %sub3A_475, %mul3A_473 : vector<16xf32>
        %mul3A_477 = arith.constant 1.55999303 : f32
        %mul3A_478 = vector.broadcast %mul3A_477 : f32 to vector<16xf32>
        %mul3A_479 = arith.mulf %sub3A_476, %mul3A_478 : vector<16xf32>
        %jit3A = arith.constant 2 : i32
        %eq3A = arith.constant 0 : i32
        %eq3A_480 = arith.cmpi eq, %jit3A, %eq3A : i32
        %jit3A_481 = arith.constant 1 : i32
        %select_n3A = arith.select %eq3A_480, %jit3A_481, %jit3A : i32
        %rem3A = arith.remsi %add3A_67, %select_n3A : i32
        %ne3A = arith.constant 0 : i32
        %ne3A_482 = arith.cmpi ne, %rem3A, %ne3A : i32
        %lt3A_483 = arith.constant 0 : i32
        %lt3A_484 = arith.cmpi slt, %rem3A, %lt3A_483 : i32
        %lt3A_485 = arith.constant 0 : i32
        %lt3A_486 = arith.cmpi slt, %select_n3A, %lt3A_485 : i32
        %ne3A_487 = arith.xori %lt3A_484, %lt3A_486 : i1
        %and3A = arith.andi %ne3A_487, %ne3A_482 : i1
        %add3A_488 = arith.addi %rem3A, %select_n3A : i32
        %select_n3A_489 = arith.select %and3A, %add3A_488, %rem3A : i32
        %mul3A_490 = arith.constant 8 : i32
        %mul3A_491 = arith.muli %select_n3A_489, %mul3A_490 : i32
        %add3A_492 = arith.addi %mul3A_491, %scan3A_77 : i32
        %eq3A_493 = vector.broadcast %add3A_492 : i32 to vector<16xi32>
        %eq3A_494 = arith.cmpi eq, %iota3A, %eq3A_493 : vector<16xi32>
        %select_n3A_495 = arith.select %eq3A_494, %mul3A_479, %scan3A_78 : vector<16xi1>, vector<16xf32>
        scf.yield %select_n3A_495 : vector<16xf32>
      }
      %scan3A_73 = arith.constant 8 : i32
      %mul3A_74 = arith.constant 16 : i32
      %mul3A_75 = arith.muli %scan3A_27, %mul3A_74 : i32
      %swap3A = arith.index_cast %mul3A_75 : i32 to index
      %swap3A_76 = tpu.vector_load %arg7[%swap3A] {strides = array<i32>} : memref<384xf32, #tpu.memory_space<vmem>>, vector<16xf32>,
      tpu.vector_store %arg7[%swap3A], %scan3A_72 {strides = array<i32>} : memref<384xf32, #tpu.memory_space<vmem>>, vector<16xf32>,
    }
    %scan3A_26 = arith.constant 24 : i32
    "tpu.region"() ({
      %run_scoped3A = tpu.sem_alloc : memref<!tpu.dma_semaphore, #tpu.memory_space<semaphore_mem>>
      %dma_start3A_27 = tpu.memref_slice %arg3[%mul3A_2] : memref<12288xf32, #tpu.memory_space<hbm>> -> memref<384xf32, #tpu.memory_space<hbm>>
      %dma_start3A_28 = tpu.memref_slice %arg3[%mul3A_2] : memref<12288xf32, #tpu.memory_space<hbm>> -> memref<384xf32, #tpu.memory_space<hbm>>
      tpu.enqueue_dma source(%arg7 : memref<384xf32, #tpu.memory_space<vmem>>) target(%dma_start3A_28 : memref<384xf32, #tpu.memory_space<hbm>>) target_semaphore(%run_scoped3A : memref<!tpu.dma_semaphore, #tpu.memory_space<semaphore_mem>>)
      %dma_wait3A = tpu.memref_slice %arg3[%mul3A_2] : memref<12288xf32, #tpu.memory_space<hbm>> -> memref<384xf32, #tpu.memory_space<hbm>>
      %dma_wait3A_29 = tpu.memref_slice %arg3[%mul3A_2] : memref<12288xf32, #tpu.memory_space<hbm>> -> memref<384xf32, #tpu.memory_space<hbm>>
      tpu.wait_dma2 semaphore(%run_scoped3A : memref<!tpu.dma_semaphore, #tpu.memory_space<semaphore_mem>>) src(%arg7 : memref<384xf32, #tpu.memory_space<vmem>>) dst(%dma_wait3A_29 : memref<384xf32, #tpu.memory_space<hbm>>)
      tpu.yield
    }) : () -> ()
    return
  }
}

</mosaic_0001>

<sc_bundles>
// kernel: kernel.3.cloned.1.call-start
scs
__scs_entry_jumppad:
0x0: {  	(pc) =	sbr.rel $0x88, $3  }
0x1: {  	(tag) =	ssettag $0x0;
	lr =	simm.s32 $0x1  }
0x2: {  	[smem:$0x3FA0] =	sst lr;
	_ =	strace $0xD0000000  }
0x3: {  	_ = 	snop  }
0x4: {  	_ = 	snop  }
0x5: {  	_ = 	snop  }
0x6: {  	_ = 	snop  }
0x7: {  	_ = 	snop  }
__scs_overlays_trampoline_lowered:
0x8: {  	[smem:$0x3FAF] =	sst s0  }
0x9: {  	[smem:$0x3FB0] =	sst s1  }
0xa: {  	[smem:$0x3FB1] =	sst s2  }
0xb: {  	[smem:$0x3FB2] =	sst s3  }
0xc: {  	[smem:$0x3FB3] =	sst s4  }
0xd: {  	[smem:$0x3FB4] =	sst s5  }
0xe: {  	[smem:$0x3FB5] =	sst s6  }
0xf: {  	[smem:$0x3FB6] =	sst s7  }
0x10: {  	[smem:$0x3FB7] =	sst s8  }
0x11: {  	[smem:$0x3FB8] =	sst s9;
	s0 =	simm.s32 @!p0 $0x0  }
0x12: {  	s1 =	sld [smem:$0x3F9E];
	s0 =	simm.s32 @p0 $0x1  }
0x13: {  	[smem:$0x3FB9] =	sst s0;
	s0 =	simm.s32 @!p1 $0x0  }
0x14: {  	s2 =	sld [smem:$0x3F9D];
	s0 =	simm.s32 @p1 $0x1  }
0x15: {  	[smem:$0x3FBA] =	sst s0;
	s0 =	simm.s32 @!p2 $0x0  }
0x16: {  	s3 =	sld [smem:$0x3FDB];
	s0 =	simm.s32 @p2 $0x1  }
0x17: {  	s4 =	simm.s32 $0x1BF5;
	[smem:$0x3FBC] =	sst s0  }
0x18: {  	s0 =	sld [smem:$0x3F9F];
	_ =	swait.ge [sflag:s4], $0x0  }
0x19: {  	s7 =	sld [smem:$0x3FA0]  }
0x1a: {  	s8 =	sadd.s32 $0xFFFFE003, lr  }
0x1b: {  	s9 =	sadd.s32 $0xFFFFFEF7, lr;
	s5 =	simm.s32 $0xFFFFFFFF;
	p2 =	slt.u32 s8, $0xFFFFF086  }
0x1c: {  	p1 =	slt.u32 s9, $0xF7A;
	s5 =	simm.s32 @!p2 $0x0  }
0x1d: {  	s5 =	simm.s32 @p1 $0x1;
	p0 =	seq.s32 s7, s2  }
0x1e: {  	s7 =	smul.u32 @!p0 $0xF7A, s2;
	p2 =	seq.s32 @!p0 s5, $0x0  }
0x1f: {  	s9 =	smul.u32 $0xF7A, s1;
	s8 =	simm.s32 @!p0 $0x1BF5;
	p2 =	por !p2, p0  }
0x20: {  	[sflag:s8] =	ssyncset.s32 @!p0 $0xFFFFF086;
	s6 =	sadd.s32 @!p0 s3, s7;
	s7 =	simm.s32 @!p0 $0x108  }
0x21: {  	s3 =	sadd.s32 s3, s9;
	s6 =	sadd.s32 @!p0 $0x88, s6;
	s7 =	simm.s32 @p2 $0x1082  }
0x22: {  	[simem:s7], [sflag:s8] =	dma.local @!p0 [hbm:s6], $0xF7A  }
0x23: {  	s9 =	sor.u32 $0xD0000000, s2;
	s6 =	simm.s32 $0x108;
	_ =	swait.ge @!p0 [sflag:s8], $0x0  }
0x24: {  	s3 =	sadd.s32 $0x88, s3;
	s6 =	simm.s32 @!p1 $0x1082;
	[sflag:s4] =	ssyncset.s32 $0xFFFFF086  }
0x25: {  	[simem:s6], [sflag:s4] =	dma.local [hbm:s3], $0xF7A  }
0x26: {  	[smem:$0x3FA0] =	sst s1;
	(tag) =	ssettag s2;
	_ =	strace s9  }
0x27: {  	s1 =	sld [smem:$0x3FB0]  }
0x28: {  	s2 =	sld [smem:$0x3FB1]  }
0x29: {  	s4 =	sld [smem:$0x3FB3]  }
0x2a: {  	p0 =	seq.s32 s5, $0x0;
	s5 =	sld [smem:$0x3FB4]  }
0x2b: {  	s6 =	sld [smem:$0x3FB5]  }
0x2c: {  	s7 =	sld [smem:$0x3FB6]  }
0x2d: {  	s3 =	simm.s32 $0x108;
	s8 =	sld [smem:$0x3FB7]  }
0x2e: {  	s3 =	simm.s32 @!p0 $0x1082;
	s9 =	sld [smem:$0x3FB8]  }
0x2f: {  	lr =	sadd.s32 s0, s3;
	s0 =	sld [smem:$0x3FAF]  }
0x30: {  	s3 =	sld [smem:$0x3FB2]  }
0x31: {  	[smem:$0x3FBB] =	sst s10  }
0x32: {  	s10 =	sld [smem:$0x3FB9];
	_ =	sdelay $0x3  }
0x33: {  	p0 =	seq.s32 s10, $0x1;
	s10 =	sld [smem:$0x3FBB];
	_ =	sdelay $0x3  }
0x34: {  	[smem:$0x3FBB] =	sst s10  }
0x35: {  	s10 =	sld [smem:$0x3FBA];
	_ =	sdelay $0x3  }
0x36: {  	p1 =	seq.s32 s10, $0x1;
	s10 =	sld [smem:$0x3FBB];
	_ =	sdelay $0x3  }
0x37: {  	[smem:$0x3FBB] =	sst s10  }
0x38: {  	s10 =	sld [smem:$0x3FBC]  }
0x39: {  	_ = 	snop;
	(pc) =	sbr.ind lr, $3  }
0x3a: {  	_ = 	snop  }
0x3b: {  	_ = 	snop  }
0x3c: {  	p2 =	seq.s32 s10, $0x1;
	s10 =	sld [smem:$0x3FBB]  }
0x3d: {  	_ =	shalt  }
0x3e: {  	_ =	shalt  }
0x3f: {  	_ =	shalt  }
0x40: {  	_ =	shalt  }
0x41: {  	_ =	shalt  }
0x42: {  	_ =	shalt  }
0x43: {  	_ =	shalt  }
0x44: {  	_ =	shalt  }
0x45: {  	_ =	shalt  }
0x46: {  	_ =	shalt  }
0x47: {  	_ =	shalt  }
0x48: {  	_ =	shalt  }
0x49: {  	_ =	shalt  }
0x4a: {  	_ =	shalt  }
0x4b: {  	_ =	shalt  }
0x4c: {  	_ =	shalt  }
0x4d: {  	_ =	shalt  }
0x4e: {  	_ =	shalt  }
0x4f: {  	_ =	shalt  }
0x50: {  	_ =	shalt  }
0x51: {  	_ =	shalt  }
0x52: {  	_ =	shalt  }
0x53: {  	_ =	shalt  }
0x54: {  	_ =	shalt  }
0x55: {  	_ =	shalt  }
0x56: {  	_ =	shalt  }
0x57: {  	_ =	shalt  }
0x58: {  	_ =	shalt  }
0x59: {  	_ =	shalt  }
0x5a: {  	_ =	shalt  }
0x5b: {  	_ =	shalt  }
0x5c: {  	_ =	shalt  }
0x5d: {  	_ =	shalt  }
0x5e: {  	_ =	shalt  }
0x5f: {  	_ =	shalt  }
0x60: {  	_ =	shalt  }
0x61: {  	_ =	shalt  }
0x62: {  	_ =	shalt  }
0x63: {  	_ =	shalt  }
0x64: {  	_ =	shalt  }
0x65: {  	_ =	shalt  }
0x66: {  	_ =	shalt  }
0x67: {  	_ =	shalt  }
0x68: {  	_ =	shalt  }
0x69: {  	_ =	shalt  }
0x6a: {  	_ =	shalt  }
0x6b: {  	_ =	shalt  }
0x6c: {  	_ =	shalt  }
0x6d: {  	_ =	shalt  }
0x6e: {  	_ =	shalt  }
0x6f: {  	_ =	shalt  }
0x70: {  	_ =	shalt  }
0x71: {  	_ =	shalt  }
0x72: {  	_ =	shalt  }
0x73: {  	_ =	shalt  }
0x74: {  	_ =	shalt  }
0x75: {  	_ =	shalt  }
0x76: {  	_ =	shalt  }
0x77: {  	_ =	shalt  }
0x78: {  	_ =	shalt  }
0x79: {  	_ =	shalt  }
0x7a: {  	_ =	shalt  }
0x7b: {  	_ =	shalt  }
0x7c: {  	_ =	shalt  }
0x7d: {  	_ =	shalt  }
0x7e: {  	_ =	shalt  }
0x7f: {  	_ =	shalt  }
0x80: {  	_ =	shalt  }
0x81: {  	_ =	shalt  }
0x82: {  	_ =	shalt  }
0x83: {  	_ =	shalt  }
0x84: {  	_ =	shalt  }
0x85: {  	_ =	shalt  }
0x86: {  	_ =	shalt  }
0x87: {  	_ =	shalt  }
.Lfunc_end0:
.L_simem_size_0:
called_computation_lowered:
.L_overlay_start_0:
0x88: {  	s2 =	sld [smem:$0x3FD9]  }
0x89: {  	s3 =	sld [smem:$0x3FFE];
	_ =	sdelay $0x1  }
0x8a: {  	s1 =	srdreg.scid  }
0x8b: {  	s0 =	sand.u32 $0x1, s1  }
0x8c: {  	s16 =	sshll.u32 s0, $0xA;
	s2 =	sadd.s32 s3, s2  }
0x8d: {  	s2 =	sadd.s32 s2, s16  }
0x8e: {  	[smem:$0x3FC7] =	sst s2  }
0x8f: {  	_ = 	snop  }
0x90: {  	(tm) =	ssettm $0x1  }
0x91: {  	s17 =	sld [smem:$0x3FFB];
	_ =	sdelay $0x3  }
0x92: {  	_ =	strace s17  }
0x93: {  	s2 =	sld [smem:$0x3FFC];
	_ =	sdelay $0x3  }
0x94: {  	_ =	strace s2  }
0x95: {  	s2 =	sld [smem:$0x3FFD];
	_ =	sdelay $0x3  }
0x96: {  	_ =	strace s2  }
0x97: {  	_ =	strace $0x8FFFFFFF  }
0x98: {  	s18 =	sld [smem:$0x3FDB];
	_ =	sdelay $0x1  }
0x99: {  	s19 =	simm.s32 $_scs_section_size  }
0x9a: {  	s4 =	simm.s32 $_size__tile_overlayer_lowered;
	s5 =	simm.s32 $_tile_overlayer_lowered  }
0x9b: {  	s22 =	simm.s32 $0x1BFF;
	s21 =	sshll.u32 s5, $0x1;
	s2 =	sadd.s32 s19, s18  }
0x9c: {  	s6 =	simm.s32 $0x0;
	s20 =	sshll.u32 s4, $0x1;
	s4 =	sadd.s32 s21, s2  }
0x9d: {  	[timem:s6], [sflag:s22] =	dma.local [hbm:s4], s20  }
0x9e: {  	_ =	swait.ge [sflag:s22], s20  }
0x9f: {  	s3 =	ssub.s32 $0x0, s20;
	[sflag:s22] =	ssyncset.done $0x0  }
0xa0: {  	[sflag:s22] =	ssyncadd.s32 s3;
	_ =	sdelay $0x1  }
0xa1: {  	s23 =	simm.s32 $0x1B8B  }
0xa2: {  	_ =	swait.ge [sflag:s23], $0x1  }
0xa3: {  	[sflag:s23] =	ssyncset.done $0x0  }
0xa4: {  	s25 =	simm.s32 $0x1B8E;
	s24 =	sld [smem:$0x3FFE];
	[sflag:s23] =	ssyncadd.s32 $0xFFFFFFFF  }
0xa5: {  	s26 =	simm.s32 $execute0_lowered;
	[smem:$0x3FD2] =	sst s25  }
0xa6: {  	s4 =	sshll.u32 s26, $0x1;
	_ =	strace $0x80000046;
	[dreg:$0x1] =	wrdreg $0xFFFFFFFF  }
0xa7: {  	s28 =	simm.s32 $_size_execute0_lowered;
	s2 =	sadd.s32 s2, s4;
	[dreg:$0x0] =	wrdreg $0x0  }
0xa8: {  	s4 =	sshll.u32 s28, $0x1;
	[dreg:$0x2] =	wrdreg s2  }
0xa9: {  	[dreg:$0x3] =	wrdreg s4  }
0xaa: {  	[dreg:$0x4] =	wrdreg $0xC0  }
0xab: {  	_ =	task [dreg:s6], $0x5FFFF  }
0xac: {  	[dreg:$0x1] =	wrdreg $0xFFFFFFFF  }
0xad: {  	[dreg:$0x0] =	wrdreg $0x60  }
0xae: {  	[dreg:$0x2] =	wrdreg s24  }
0xaf: {  	[dreg:$0x3] =	wrdreg $0x9  }
0xb0: {  	_ =	task.clear_ibuf [dreg:s6], $0x4FFFF;
	_ =	strace $0x90000046  }
0xb1: {  	s29 =	simm.s32 $0x9;
	_ =	strace $0x80000048  }
0xb2: {  	_ =	swait.ge [sflag:s29], $0x1  }
0xb3: {  	[sflag:s29] =	ssyncadd.s32 $0xFFFFFFFF  }
0xb4: {  	_ =	strace $0x90000048  }
0xb5: {  	_ =	sfence  }
0xb6: {  	s30 =	sld [smem:$0x0];
	_ =	sdelay $0x2  }
0xb7: {  	s31 =	sshll.u32 s1, $0xD;
	s1 =	sshrl.u32 s1, $0x2  }
0xb8: {  	s3 =	sand.u32 $0x4000, s31;
	s1 =	sadd.s32 s1, s30  }
0xb9: {  	s0 =	sor.u32 s3, s0;
	s1 =	sshll.u32 s1, $0x11  }
0xba: {  	s0 =	sor.u32 s1, s0  }
0xbb: {  	s0 =	sadd.s32 $0x8F2B, s0  }
0xbc: {  	[sflag:s0] =	ssyncadd.remote.s32 $0x1  }
0xbd: {  	_ =	sfence.sel $0xFFFF  }
0xbe: {  	[dreg:$0x0] =	wrdreg $0xFFFFFFFF;
	(pc) =	sbr.abs _section_cstart, $3  }
0xbf: {  	[dreg:$0x1] =	wrdreg $0xFFFFFFFF  }
0xc0: {  	_ =	task.clear_ibuf [dreg:s6], $0x2FFFF;
	_ =	strace $0x9FFFFFFF  }
0xc1: {  	(tm) =	ssettm $0x7FFFFFFF  }
tec
execute0_lowered:
.L_overlay_start_1:
0x0: {  	(tag) =	ssettag $0x1  }
0x1: {  	s1 =	srdreg.scid  }
0x2: {  	s0 =	stileid.u32;
	s4 =	rddreg [dreg:$0x0]  }
0x3: {  	s2 =	simm.s32 $0x0;
	s3 =	sand.u32 $0x1, s1;
	s31 =	sshll.u32 s0, $0x1  }
0x4: {  	v0 =	vlaneseq.u32;
	s12 =	simm.s32 $0x2;
	s13 =	simm.s32 $0x10100;
	s5 =	sor.u32 s3, s31  }
0x5: {  	s14 =	simm.s32 $0x3;
	s15 =	simm.s32 $0x0;
	v1 =	vmul.u32 $0x10, v0;
	s6 =	smul.u32 $0x30, s5  }
0x6: {  	v2 =	vimm.f32 $0.0e+00;
	v3 =	vimm.f32 $1.000000000e+00;
	s1 =	rddreg [dreg:$0x1];
	s7 =	ssub.s32 $0x2, s3;
	s8 =	smul.u32 $0x30000, s5  }
0x7: {  	[smem:$0x7FF] =	sst s2;
	s9 =	sshrl.u32 s7, $0x1;
	s10 =	smul.u32 $0x180000, s5;
	v4 =	vor.u32 $0x1, v1;
	v5 =	vor.u32 $0x2, v1;
	v6 =	vor.u32 $0x3, v1  }
0x8: {  	_ =	strace $0x80000047;
	s3 =	sadd.s32 $0x400, s4;
	v7 =	vor.u32 $0x4, v1;
	v8 =	vor.u32 $0x5, v1;
	v9 =	vor.u32 $0x6, v1;
	s9 =	ssub.s32 s7, s9  }
0x9: {  	v10 =	vor.u32 $0x7, v1;
	v11 =	vor.u32 $0x8, v1;
	v12 =	vor.u32 $0x9, v1;
	s11 =	sadd.s32 s6, s4;
	s4 =	sadd.s32 s3, s8;
	s5 =	sor.u32 $0x8000, s10  }
0xa: {  	v13 =	vor.u32 $0xA, v1;
	v14 =	vor.u32 $0xB, v1;
	v15 =	vor.u32 $0xC, v1;
	s6 =	sor.u32 $0x10000, s10;
	s8 =	smax.u32 s9, $0x1;
	s9 =	simm.s32 $0x8000  }
0xb: {  	v16 =	vor.u32 $0xD, v1;
	v17 =	vor.u32 $0xE, v1;
	v18 =	vor.u32 $0xF, v1;
	s10 =	simm.s32 $0x1;
	s7 =	sadd.s32 $0x600400, s11;
	s11 =	simm.s32 $0x10000  }
.LBB2_1:
0xc: {  	[tilespmem:$0x10000] =	vst v2  }
0xd: {  	[tilespmem:$0x10010] =	vst v2  }
0xe: {  	[tilespmem:$0x10020] =	vst v2  }
0xf: {  	[tilespmem:$0x10030] =	vst v2  }
0x10: {  	[tilespmem:$0x10040] =	vst v2  }
0x11: {  	[tilespmem:$0x10050] =	vst v2  }
0x12: {  	[tilespmem:$0x10060] =	vst v2  }
0x13: {  	[tilespmem:$0x10070] =	vst v2  }
0x14: {  	[tilespmem:$0x10080] =	vst v2  }
0x15: {  	[tilespmem:$0x10090] =	vst v2  }
0x16: {  	[tilespmem:$0x100A0] =	vst v2  }
0x17: {  	[tilespmem:$0x100B0] =	vst v2  }
0x18: {  	[tilespmem:$0x100C0] =	vst v2  }
0x19: {  	[tilespmem:$0x100D0] =	vst v2  }
0x1a: {  	[tilespmem:$0x100E0] =	vst v2  }
0x1b: {  	[tilespmem:$0x100F0] =	vst v2;
	s16 =	simm.s32 $0x0  }
0x1c: {  	[tilespmem:s2], [sflag:$0x1] =	stream.linear.gather [hbm4b:s4+s2], $0x8000, $0x38;
	[tilespmem:$0x10280] =	vst v63  }
.LBB2_2:
0x1d: {  	s17 =	sshll.u32 s16, $0x10  }
0x1e: {  	s18 =	sadd.s32 s17, s5  }
0x1f: {  	s18 =	sshrl.u32 s18, $0x3  }
0x20: {  	s19 =	sadd.s32 s3, s18;
	s18 =	simm.s32 $0x0  }
0x21: {  	[tilespmem:s9], [sflag:$0x2] =	stream.linear.gather [hbm4b:s19+s18], $0x8000, $0x38;
	[tilespmem:$0x10280] =	vst v63  }
0x22: {  	_ =	swait.ge [sflag:s10], $0x8000  }
0x23: {  	[sflag:s10] =	ssyncset.done $0x0  }
0x24: {  	v19 =	vimm.f32 $0.0e+00;
	s19 =	simm.s32 $0x200;
	[sflag:s10] =	ssyncadd.s32 $0xFFFF8000  }
.LBB2_3:
0x25: {  	v20 =	vld [tilespmem:s19+$0x100];
	_ =	sdelay $0x3  }
0x26: {  	v21 =	vld [tilespmem:s19+$0xFFFFFF00]  }
0x27: {  	v22 =	vld [tilespmem:s19+$0xFFFFFE00];
	v20 =	vadd.f32 $5.000000000e+00, v20;
	_ =	sdelay $0x1  }
0x28: {  	v20 =	vmul.f32 $2.560000040e+01, v20  }
0x29: {  	v23 =	vld [tilespmem:s19+$0x0]  }
0x2a: {  	v21 =	vadd.f32 $5.000000000e+00, v21;
	v20 =	vmax.f32 v20, $0.0e+00  }
0x2b: {  	v22 =	vadd.f32 $5.000000000e+00, v22;
	v20 =	vmin.f32 v20, $2.550000000e+02  }
0x2c: {  	v21 =	vmul.f32 $2.560000040e+01, v21;
	v20 =	vtrunc.f32 v20  }
0x2d: {  	v22 =	vmul.f32 $2.560000040e+01, v22;
	v20 =	vcvt.f32.s32 v20  }
0x2e: {  	v23 =	vadd.f32 $5.000000000e+00, v23;
	v21 =	vmax.f32 v21, $0.0e+00  }
0x2f: {  	v22 =	vmax.f32 v22, $0.0e+00;
	v21 =	vmin.f32 v21, $2.550000000e+02  }
0x30: {  	v23 =	vmul.f32 $2.560000040e+01, v23;
	v22 =	vmin.f32 v22, $2.550000000e+02;
	v21 =	vtrunc.f32 v21  }
0x31: {  	v22 =	vtrunc.f32 v22;
	v21 =	vcvt.f32.s32 v21  }
0x32: {  	v23 =	vmax.f32 v23, $0.0e+00;
	v22 =	vcvt.f32.s32 v22  }
0x33: {  	v23 =	vmin.f32 v23, $2.550000000e+02;
	[tilespmem:v20+s11+$0x0] =	vst.idx.add.f32.msk $0xffff, v3  }
0x34: {  	v20 =	vtrunc.f32 v23;
	v23 =	vld [tilespmem:s19+$0x110]  }
0x35: {  	s20 =	sadd.s32 $0x400, s19;
	v20 =	vcvt.f32.s32 v20  }
0x36: {  	v24 =	vld [tilespmem:s20+$0x100]  }
0x37: {  	[tilespmem:v21+s11+$0x0] =	vst.idx.add.f32.msk $0xffff, v3  }
0x38: {  	[tilespmem:v22+s11+$0x0] =	vst.idx.add.f32.msk $0xffff, v3  }
0x39: {  	v22 =	vld [tilespmem:s19+$0xFFFFFE10];
	v21 =	vadd.f32 $5.000000000e+00, v23  }
0x3a: {  	v23 =	vld [tilespmem:s19+$0xFFFFFF10]  }
0x3b: {  	[tilespmem:v20+s11+$0x0] =	vst.idx.add.f32.msk $0xffff, v3;
	v20 =	vmul.f32 $2.560000040e+01, v21  }
0x3c: {  	v21 =	vld [tilespmem:s19+$0x10]  }
0x3d: {  	v25 =	vld [tilespmem:s20+$0xFFFFFF00];
	v20 =	vmax.f32 v20, $0.0e+00  }
0x3e: {  	v22 =	vadd.f32 $5.000000000e+00, v22;
	v20 =	vmin.f32 v20, $2.550000000e+02  }
0x3f: {  	v23 =	vadd.f32 $5.000000000e+00, v23;
	v20 =	vtrunc.f32 v20  }
0x40: {  	v22 =	vmul.f32 $2.560000040e+01, v22;
	v20 =	vcvt.f32.s32 v20  }
0x41: {  	v21 =	vadd.f32 $5.000000000e+00, v21;
	v23 =	vmul.f32 $2.560000040e+01, v23  }
0x42: {  	v26 =	vld [tilespmem:s20+$0xFFFFFE00];
	v24 =	vadd.f32 $5.000000000e+00, v24;
	v25 =	vadd.f32 $5.000000000e+00, v25;
	v22 =	vmax.f32 v22, $0.0e+00  }
0x43: {  	v27 =	vld [tilespmem:s20+$0x0];
	v22 =	vmin.f32 v22, $2.550000000e+02;
	v21 =	vmul.f32 $2.560000040e+01, v21;
	v23 =	vmax.f32 v23, $0.0e+00  }
0x44: {  	v24 =	vmul.f32 $2.560000040e+01, v24;
	v22 =	vtrunc.f32 v22;
	v23 =	vmin.f32 v23, $2.550000000e+02  }
0x45: {  	v22 =	vcvt.f32.s32 v22;
	v21 =	vmax.f32 v21, $0.0e+00;
	v23 =	vtrunc.f32 v23  }
0x46: {  	[tilespmem:v20+s11+$0x0] =	vst.idx.add.f32.msk $0xffff, v3;
	v20 =	vmin.f32 v21, $2.550000000e+02;
	v21 =	vcvt.f32.s32 v23;
	v23 =	vmax.f32 v24, $0.0e+00  }
0x47: {  	v26 =	vadd.f32 $5.000000000e+00, v26;
	v20 =	vtrunc.f32 v20;
	v23 =	vmin.f32 v23, $2.550000000e+02  }
0x48: {  	v27 =	vadd.f32 $5.000000000e+00, v27;
	v24 =	vld [tilespmem:s19+$0x180];
	v20 =	vcvt.f32.s32 v20;
	v23 =	vtrunc.f32 v23  }
0x49: {  	v25 =	vmul.f32 $2.560000040e+01, v25;
	v23 =	vcvt.f32.s32 v23  }
0x4a: {  	v26 =	vmul.f32 $2.560000040e+01, v26;
	v27 =	vmul.f32 $2.560000040e+01, v27  }
0x4b: {  	v25 =	vmax.f32 v25, $0.0e+00  }
0x4c: {  	[tilespmem:v22+s11+$0x0] =	vst.idx.add.f32.msk $0xffff, v3;
	v22 =	vmin.f32 v25, $2.550000000e+02;
	v25 =	vmax.f32 v26, $0.0e+00;
	v26 =	vmax.f32 v27, $0.0e+00  }
0x4d: {  	v24 =	vadd.f32 $5.000000000e+00, v24;
	[tilespmem:v21+s11+$0x0] =	vst.idx.add.f32.msk $0xffff, v3;
	v21 =	vtrunc.f32 v22;
	v22 =	vmin.f32 v25, $2.550000000e+02  }
0x4e: {  	v21 =	vcvt.f32.s32 v21;
	v22 =	vtrunc.f32 v22;
	[tilespmem:v20+s11+$0x0] =	vst.idx.add.f32.msk $0xffff, v3;
	v20 =	vmin.f32 v26, $2.550000000e+02  }
0x4f: {  	v22 =	vcvt.f32.s32 v22;
	v20 =	vtrunc.f32 v20;
	[tilespmem:v23+s11+$0x0] =	vst.idx.add.f32.msk $0xffff, v3  }
0x50: {  	v23 =	vmul.f32 $2.560000040e+01, v24;
	v20 =	vcvt.f32.s32 v20;
	v24 =	vld [tilespmem:s20+$0x110]  }
0x51: {  	v25 =	vld [tilespmem:s19+$0xFFFFFE80]  }
0x52: {  	v26 =	vld [tilespmem:s19+$0xFFFFFF80];
	v23 =	vmax.f32 v23, $0.0e+00  }
0x53: {  	v27 =	vld [tilespmem:s19+$0x80];
	v23 =	vmin.f32 v23, $2.550000000e+02  }
0x54: {  	v23 =	vtrunc.f32 v23;
	[tilespmem:v21+s11+$0x0] =	vst.idx.add.f32.msk $0xffff, v3  }
0x55: {  	v21 =	vcvt.f32.s32 v23;
	[tilespmem:v22+s11+$0x0] =	vst.idx.add.f32.msk $0xffff, v3;
	v22 =	vadd.f32 $5.000000000e+00, v24  }
0x56: {  	v23 =	vadd.f32 $5.000000000e+00, v25;
	[tilespmem:v20+s11+$0x0] =	vst.idx.add.f32.msk $0xffff, v3  }
0x57: {  	v20 =	vld [tilespmem:s20+$0xFFFFFE10];
	v22 =	vmul.f32 $2.560000040e+01, v22  }
0x58: {  	s21 =	sadd.s32 $0x400, s20;
	v25 =	vld [tilespmem:s20+$0xFFFFFF10];
	v23 =	vmul.f32 $2.560000040e+01, v23  }
0x59: {  	v29 =	vld [tilespmem:s21+$0xFFFFFF00];
	v24 =	vadd.f32 $5.000000000e+00, v26;
	v22 =	vmax.f32 v22, $0.0e+00  }
0x5a: {  	v26 =	vadd.f32 $5.000000000e+00, v27;
	v27 =	vld [tilespmem:s20+$0x10];
	v23 =	vmax.f32 v23, $0.0e+00;
	v22 =	vmin.f32 v22, $2.550000000e+02  }
0x5b: {  	v24 =	vmul.f32 $2.560000040e+01, v24;
	[tilespmem:v21+s11+$0x0] =	vst.idx.add.f32.msk $0xffff, v3;
	v21 =	vmin.f32 v23, $2.550000000e+02;
	v22 =	vtrunc.f32 v22  }
0x5c: {  	v20 =	vadd.f32 $5.000000000e+00, v20;
	v21 =	vtrunc.f32 v21;
	v22 =	vcvt.f32.s32 v22  }
0x5d: {  	v25 =	vadd.f32 $5.000000000e+00, v25;
	v23 =	vmax.f32 v24, $0.0e+00;
	v24 =	vld [tilespmem:s19+$0x190];
	v21 =	vcvt.f32.s32 v21  }
0x5e: {  	v29 =	vadd.f32 $5.000000000e+00, v29;
	v23 =	vmin.f32 v23, $2.550000000e+02;
	v20 =	vmul.f32 $2.560000040e+01, v20  }
0x5f: {  	v28 =	vld [tilespmem:s21+$0x100];
	v25 =	vmul.f32 $2.560000040e+01, v25;
	v27 =	vadd.f32 $5.000000000e+00, v27;
	v23 =	vtrunc.f32 v23  }
0x60: {  	v26 =	vmul.f32 $2.560000040e+01, v26;
	v23 =	vcvt.f32.s32 v23;
	v20 =	vmax.f32 v20, $0.0e+00  }
0x61: {  	v25 =	vmax.f32 v25, $0.0e+00;
	v27 =	vmul.f32 $2.560000040e+01, v27;
	v20 =	vmin.f32 v20, $2.550000000e+02  }
0x62: {  	v25 =	vmin.f32 v25, $2.550000000e+02;
	v24 =	vadd.f32 $5.000000000e+00, v24;
	v20 =	vtrunc.f32 v20;
	[tilespmem:v22+s11+$0x0] =	vst.idx.add.f32.msk $0xffff, v3  }
0x63: {  	v27 =	vmax.f32 v27, $0.0e+00;
	v20 =	vcvt.f32.s32 v20;
	v22 =	vtrunc.f32 v25;
	[tilespmem:v21+s11+$0x0] =	vst.idx.add.f32.msk $0xffff, v3  }
0x64: {  	v25 =	vmin.f32 v27, $2.550000000e+02;
	v21 =	vadd.f32 $5.000000000e+00, v28;
	v24 =	vmul.f32 $2.560000040e+01, v24;
	v27 =	vld [tilespmem:s20+$0x180]  }
0x65: {  	v26 =	vmax.f32 v26, $0.0e+00;
	v28 =	vld [tilespmem:s21+$0xFFFFFE00];
	v22 =	vcvt.f32.s32 v22;
	v25 =	vtrunc.f32 v25  }
0x66: {  	v26 =	vmin.f32 v26, $2.550000000e+02;
	v25 =	vcvt.f32.s32 v25;
	v21 =	vmul.f32 $2.560000040e+01, v21  }
0x67: {  	v30 =	vld [tilespmem:s21+$0x0];
	v29 =	vmul.f32 $2.560000040e+01, v29;
	v26 =	vtrunc.f32 v26  }
0x68: {  	v26 =	vcvt.f32.s32 v26;
	[tilespmem:v23+s11+$0x0] =	vst.idx.add.f32.msk $0xffff, v3;
	v24 =	vmax.f32 v24, $0.0e+00;
	v21 =	vmax.f32 v21, $0.0e+00  }
0x69: {  	v23 =	vmin.f32 v24, $2.550000000e+02;
	v21 =	vmin.f32 v21, $2.550000000e+02;
	v24 =	vadd.f32 $5.000000000e+00, v27;
	v27 =	vld [tilespmem:s19+$0xFFFFFE90]  }
0x6a: {  	[tilespmem:v20+s11+$0x0] =	vst.idx.add.f32.msk $0xffff, v3;
	v20 =	vadd.f32 $5.000000000e+00, v28;
	v21 =	vtrunc.f32 v21  }
0x6b: {  	v28 =	vmax.f32 v29, $0.0e+00;
	[tilespmem:v22+s11+$0x0] =	vst.idx.add.f32.msk $0xffff, v3;
	v21 =	vcvt.f32.s32 v21;
	v22 =	vmul.f32 $2.560000040e+01, v24  }
0x6c: {  	v24 =	vadd.f32 $5.000000000e+00, v30;
	[tilespmem:v25+s11+$0x0] =	vst.idx.add.f32.msk $0xffff, v3;
	v20 =	vmul.f32 $2.560000040e+01, v20;
	v25 =	vmin.f32 v28, $2.550000000e+02  }
0x6d: {  	v28 =	vld [tilespmem:s20+$0xFFFFFE80];
	v25 =	vtrunc.f32 v25;
	v22 =	vmax.f32 v22, $0.0e+00  }
0x6e: {  	v29 =	vld [tilespmem:s20+$0xFFFFFF80];
	v24 =	vmul.f32 $2.560000040e+01, v24;
	v20 =	vmax.f32 v20, $0.0e+00;
	v22 =	vmin.f32 v22, $2.550000000e+02  }
0x6f: {  	[tilespmem:v26+s11+$0x0] =	vst.idx.add.f32.msk $0xffff, v3;
	v25 =	vcvt.f32.s32 v25;
	v20 =	vmin.f32 v20, $2.550000000e+02;
	v22 =	vtrunc.f32 v22  }
0x70: {  	v30 =	vld [tilespmem:s20+$0x80];
	v20 =	vtrunc.f32 v20;
	v22 =	vcvt.f32.s32 v22  }
0x71: {  	v31 =	vld [tilespmem:s19+$0xFFFFFF90];
	v23 =	vtrunc.f32 v23;
	v24 =	vmax.f32 v24, $0.0e+00;
	v20 =	vcvt.f32.s32 v20  }
0x72: {  	v26 =	vadd.f32 $5.000000000e+00, v27;
	v24 =	vmin.f32 v24, $2.550000000e+02;
	[tilespmem:v21+s11+$0x0] =	vst.idx.add.f32.msk $0xffff, v3;
	v21 =	vadd.f32 $5.000000000e+00, v28  }
0x73: {  	v28 =	vadd.f32 $5.000000000e+00, v29;
	v29 =	vcvt.f32.s32 v23;
	v23 =	vld [tilespmem:s19+$0x90];
	v24 =	vtrunc.f32 v24  }
0x74: {  	v26 =	vmul.f32 $2.560000040e+01, v26;
	v27 =	vld [tilespmem:s21+$0x110];
	v24 =	vcvt.f32.s32 v24  }
0x75: {  	v30 =	vadd.f32 $5.000000000e+00, v30;
	v21 =	vmul.f32 $2.560000040e+01, v21;
	[tilespmem:v25+s11+$0x0] =	vst.idx.add.f32.msk $0xffff, v3  }
0x76: {  	v26 =	vmax.f32 v26, $0.0e+00;
	v25 =	vmul.f32 $2.560000040e+01, v28;
	v28 =	vadd.f32 $5.000000000e+00, v31;
	[tilespmem:v22+s11+$0x0] =	vst.idx.add.f32.msk $0xffff, v3  }
0x77: {  	v26 =	vmin.f32 v26, $2.550000000e+02;
	v30 =	vmul.f32 $2.560000040e+01, v30;
	v21 =	vmax.f32 v21, $0.0e+00;
	[tilespmem:v20+s11+$0x0] =	vst.idx.add.f32.msk $0xffff, v3  }
0x78: {  	v21 =	vmin.f32 v21, $2.550000000e+02;
	v23 =	vadd.f32 $5.000000000e+00, v23;
	v22 =	vmax.f32 v25, $0.0e+00;
	v25 =	vld [tilespmem:s20+$0x190]  }
0x79: {  	v20 =	vadd.f32 $5.000000000e+00, v27;
	v27 =	vmax.f32 v30, $0.0e+00;
	v21 =	vtrunc.f32 v21;
	v30 =	vld [tilespmem:s21+$0xFFFFFF10]  }
0x7a: {  	v28 =	vmul.f32 $2.560000040e+01, v28;
	v22 =	vmin.f32 v22, $2.550000000e+02;
	v31 =	vcvt.f32.s32 v21;
	[tilespmem:v24+s11+$0x0] =	vst.idx.add.f32.msk $0xffff, v3  }
0x7b: {  	v33 =	vmul.f32 $2.560000040e+01, v23;
	v24 =	vmin.f32 v27, $2.550000000e+02;
	v27 =	vld [tilespmem:s21+$0xFFFFFE10];
	v20 =	vmul.f32 $2.560000040e+01, v20  }
0x7c: {  	v28 =	vmax.f32 v28, $0.0e+00;
	v22 =	vtrunc.f32 v22;
	v24 =	vtrunc.f32 v24;
	v32 =	vld [tilespmem:s21+$0x10]  }
0x7d: {  	v20 =	vmax.f32 v20, $0.0e+00;
	v21 =	vcvt.f32.s32 v24;
	v24 =	vadd.f32 $5.000000000e+00, v25  }
0x7e: {  	v22 =	vcvt.f32.s32 v22;
	v25 =	vmin.f32 v20, $2.550000000e+02;
	v20 =	vtrunc.f32 v26  }
0x7f: {  	v23 =	vmin.f32 v28, $2.550000000e+02;
	v25 =	vtrunc.f32 v25;
	v24 =	vmul.f32 $2.560000040e+01, v24  }
0x80: {  	v28 =	vadd.f32 $5.000000000e+00, v27;
	v27 =	vadd.f32 $5.000000000e+00, v30;
	v26 =	vcvt.f32.s32 v25  }
0x81: {  	[tilespmem:v29+s11+$0x0] =	vst.idx.add.f32.msk $0xffff, v3;
	v25 =	vmax.f32 v33, $0.0e+00;
	v29 =	vadd.f32 $5.000000000e+00, v32;
	v30 =	vmax.f32 v24, $0.0e+00  }
0x82: {  	s22 =	simm.s32 $0x10;
	s23 =	sadd.s32 $0x400, s21;
	[tilespmem:v31+s11+$0x0] =	vst.idx.add.f32.msk $0xffff, v3;
	v28 =	vmul.f32 $2.560000040e+01, v28;
	v24 =	vmin.f32 v25, $2.550000000e+02;
	v25 =	vmin.f32 v30, $2.550000000e+02  }
.LBB2_4:
0x83: {  	v30 =	vld [tilespmem:s23+$0x100];
	s22 =	sadd.s32 $0x8, s22;
	v27 =	vmul.f32 $2.560000040e+01, v27;
	v25 =	vtrunc.f32 v25  }
0x84: {  	v31 =	vld [tilespmem:s23+$0xFFFFFF00];
	p0 =	slt.u32 s22, $0x18;
	v28 =	vmax.f32 v28, $0.0e+00;
	v29 =	vmul.f32 $2.560000040e+01, v29;
	v25 =	vcvt.f32.s32 v25  }
0x85: {  	v23 =	vtrunc.f32 v23;
	v32 =	vld [tilespmem:s23+$0x0];
	v28 =	vmin.f32 v28, $2.550000000e+02;
	v27 =	vmax.f32 v27, $0.0e+00  }
0x86: {  	v28 =	vtrunc.f32 v28;
	v27 =	vmin.f32 v27, $2.550000000e+02;
	v29 =	vmax.f32 v29, $0.0e+00;
	[tilespmem:v26+s11+$0x0] =	vst.idx.add.f32.msk $0xffff, v3  }
0x87: {  	v26 =	vcvt.f32.s32 v28;
	v27 =	vtrunc.f32 v27;
	v28 =	vmin.f32 v29, $2.550000000e+02;
	v29 =	vld [tilespmem:s21+$0x180]  }
0x88: {  	v33 =	vld [tilespmem:s23+$0xFFFFFE00];
	v30 =	vadd.f32 $5.000000000e+00, v30;
	v27 =	vcvt.f32.s32 v27;
	v28 =	vtrunc.f32 v28  }
0x89: {  	v31 =	vadd.f32 $5.000000000e+00, v31;
	v28 =	vcvt.f32.s32 v28;
	[tilespmem:v22+s11+$0x0] =	vst.idx.add.f32.msk $0xffff, v3;
	v22 =	vtrunc.f32 v24  }
0x8a: {  	v20 =	vcvt.f32.s32 v20;
	v24 =	vadd.f32 $5.000000000e+00, v32;
	v30 =	vmul.f32 $2.560000040e+01, v30;
	[tilespmem:v25+s11+$0x0] =	vst.idx.add.f32.msk $0xffff, v3  }
0x8b: {  	v25 =	vmul.f32 $2.560000040e+01, v31;
	[tilespmem:v21+s11+$0x0] =	vst.idx.add.f32.msk $0xffff, v3;
	v31 =	vcvt.f32.s32 v23  }
0x8c: {  	v21 =	vmul.f32 $2.560000040e+01, v24;
	v23 =	vmax.f32 v30, $0.0e+00;
	v24 =	vadd.f32 $5.000000000e+00, v29;
	v29 =	vld [tilespmem:s20+$0xFFFFFE90]  }
0x8d: {  	v30 =	vadd.f32 $5.000000000e+00, v33;
	v25 =	vmax.f32 v25, $0.0e+00;
	v23 =	vmin.f32 v23, $2.550000000e+02;
	[tilespmem:v26+s11+$0x0] =	vst.idx.add.f32.msk $0xffff, v3  }
0x8e: {  	v21 =	vmax.f32 v21, $0.0e+00;
	v23 =	vtrunc.f32 v23;
	[tilespmem:v27+s11+$0x0] =	vst.idx.add.f32.msk $0xffff, v3;
	v24 =	vmul.f32 $2.560000040e+01, v24  }
0x8f: {  	v25 =	vmin.f32 v25, $2.550000000e+02;
	v26 =	vmul.f32 $2.560000040e+01, v30;
	v23 =	vcvt.f32.s32 v23;
	[tilespmem:v28+s11+$0x0] =	vst.idx.add.f32.msk $0xffff, v3  }
0x90: {  	v25 =	vtrunc.f32 v25;
	v21 =	vmin.f32 v21, $2.550000000e+02;
	v27 =	vld [tilespmem:s21+$0xFFFFFE80];
	v24 =	vmax.f32 v24, $0.0e+00  }
0x91: {  	v21 =	vtrunc.f32 v21;
	v26 =	vmax.f32 v26, $0.0e+00;
	v28 =	vld [tilespmem:s21+$0xFFFFFF80];
	v24 =	vmin.f32 v24, $2.550000000e+02  }
0x92: {  	v25 =	vcvt.f32.s32 v25;
	v26 =	vmin.f32 v26, $2.550000000e+02;
	v30 =	vld [tilespmem:s21+$0x80];
	v24 =	vtrunc.f32 v24  }
0x93: {  	v29 =	vadd.f32 $5.000000000e+00, v29;
	v26 =	vtrunc.f32 v26;
	v24 =	vcvt.f32.s32 v24;
	v32 =	vld [tilespmem:s20+$0xFFFFFF90]  }
0x94: {  	v21 =	vcvt.f32.s32 v21;
	v26 =	vcvt.f32.s32 v26;
	v33 =	vld [tilespmem:s20+$0x90];
	s20 =	smov.u32 s21;
	s21 =	smov.u32 s23  }
0x95: {  	[tilespmem:v23+s11+$0x0] =	vst.idx.add.f32.msk $0xffff, v3;
	v23 =	vadd.f32 $5.000000000e+00, v27;
	v27 =	vmul.f32 $2.560000040e+01, v29;
	v29 =	vcvt.f32.s32 v22  }
0x96: {  	v22 =	vld [tilespmem:s23+$0x110];
	v28 =	vadd.f32 $5.000000000e+00, v28  }
0x97: {  	v23 =	vmul.f32 $2.560000040e+01, v23;
	v30 =	vadd.f32 $5.000000000e+00, v30;
	v27 =	vmax.f32 v27, $0.0e+00;
	[tilespmem:v20+s11+$0x0] =	vst.idx.add.f32.msk $0xffff, v3  }
0x98: {  	[tilespmem:v25+s11+$0x0] =	vst.idx.add.f32.msk $0xffff, v3;
	v20 =	vmul.f32 $2.560000040e+01, v28;
	v25 =	vmin.f32 v27, $2.550000000e+02;
	v27 =	vadd.f32 $5.000000000e+00, v32  }
0x99: {  	v23 =	vmax.f32 v23, $0.0e+00;
	v28 =	vmul.f32 $2.560000040e+01, v30;
	[tilespmem:v24+s11+$0x0] =	vst.idx.add.f32.msk $0xffff, v3;
	v24 =	vadd.f32 $5.000000000e+00, v33  }
0x9a: {  	v23 =	vmin.f32 v23, $2.550000000e+02;
	v20 =	vmax.f32 v20, $0.0e+00;
	v30 =	vld [tilespmem:s20+$0x190];
	v27 =	vmul.f32 $2.560000040e+01, v27  }
0x9b: {  	[tilespmem:v26+s11+$0x0] =	vst.idx.add.f32.msk $0xffff, v3;
	v22 =	vadd.f32 $5.000000000e+00, v22;
	v20 =	vmin.f32 v20, $2.550000000e+02;
	v26 =	vmax.f32 v28, $0.0e+00  }
0x9c: {  	[tilespmem:v21+s11+$0x0] =	vst.idx.add.f32.msk $0xffff, v3;
	v21 =	vtrunc.f32 v23;
	v20 =	vtrunc.f32 v20;
	v23 =	vmin.f32 v26, $2.550000000e+02  }
0x9d: {  	v26 =	vld [tilespmem:s23+$0xFFFFFE10];
	v28 =	vmul.f32 $2.560000040e+01, v22;
	v32 =	vtrunc.f32 v23;
	v23 =	vmax.f32 v27, $0.0e+00  }
0x9e: {  	v33 =	vcvt.f32.s32 v21;
	v22 =	vcvt.f32.s32 v20;
	v27 =	vld [tilespmem:s23+$0xFFFFFF10];
	v23 =	vmin.f32 v23, $2.550000000e+02  }
0x9f: {  	v21 =	vcvt.f32.s32 v32;
	v34 =	vld [tilespmem:s23+$0x10];
	v20 =	vmax.f32 v28, $0.0e+00;
	v28 =	vadd.f32 $5.000000000e+00, v30  }
.Ltmp0:
0xa0: {  	v24 =	vmul.f32 $2.560000040e+01, v24;
	v30 =	vmin.f32 v20, $2.550000000e+02;
	v20 =	vtrunc.f32 v25;
	[tilespmem:v31+s11+$0x0] =	vst.idx.add.f32.msk $0xffff, v3;
	(pc) =	sbr.rel @p0 .LBB2_4-.Ltmp0, $4  }
0xa1: {  	v25 =	vtrunc.f32 v30;
	v28 =	vmul.f32 $2.560000040e+01, v28;
	[tilespmem:v29+s11+$0x0] =	vst.idx.add.f32.msk $0xffff, v3  }
0xa2: {  	v24 =	vmax.f32 v24, $0.0e+00;
	v29 =	vadd.f32 $5.000000000e+00, v26;
	v26 =	vcvt.f32.s32 v25  }
0xa3: {  	v24 =	vmin.f32 v24, $2.550000000e+02;
	v27 =	vadd.f32 $5.000000000e+00, v27;
	v25 =	vmax.f32 v28, $0.0e+00  }
0xa4: {  	s23 =	sadd.s32 $0x400, s23;
	v28 =	vmul.f32 $2.560000040e+01, v29;
	v29 =	vadd.f32 $5.000000000e+00, v34;
	[tilespmem:v33+s11+$0x0] =	vst.idx.add.f32.msk $0xffff, v3;
	v25 =	vmin.f32 v25, $2.550000000e+02  }
0xa5: {  	v27 =	vmul.f32 $2.560000040e+01, v27  }
0xa6: {  	v28 =	vmax.f32 v28, $0.0e+00  }
0xa7: {  	v28 =	vmin.f32 v28, $2.550000000e+02;
	v27 =	vmax.f32 v27, $0.0e+00  }
0xa8: {  	v29 =	vmul.f32 $2.560000040e+01, v29;
	v28 =	vtrunc.f32 v28;
	v27 =	vmin.f32 v27, $2.550000000e+02  }
0xa9: {  	v28 =	vcvt.f32.s32 v28;
	v27 =	vtrunc.f32 v27  }
0xaa: {  	v29 =	vmax.f32 v29, $0.0e+00;
	v27 =	vcvt.f32.s32 v27  }
0xab: {  	v29 =	vmin.f32 v29, $2.550000000e+02  }
0xac: {  	v29 =	vtrunc.f32 v29  }
0xad: {  	[tilespmem:v26+s11+$0x0] =	vst.idx.add.f32.msk $0xffff, v3;
	v29 =	vcvt.f32.s32 v29  }
0xae: {  	v26 =	vld [tilespmem:s21+$0x180]  }
0xaf: {  	[tilespmem:v28+s11+$0x0] =	vst.idx.add.f32.msk $0xffff, v3  }
0xb0: {  	[tilespmem:v27+s11+$0x0] =	vst.idx.add.f32.msk $0xffff, v3  }
0xb1: {  	v36 =	vld [tilespmem:s21+$0xFFFFFE80]  }
0xb2: {  	v37 =	vld [tilespmem:s21+$0xFFFFFF80]  }
0xb3: {  	v26 =	vadd.f32 $5.000000000e+00, v26;
	[tilespmem:v29+s11+$0x0] =	vst.idx.add.f32.msk $0xffff, v3  }
0xb4: {  	v29 =	vld [tilespmem:s21+$0x80]  }
0xb5: {  	v26 =	vmul.f32 $2.560000040e+01, v26  }
0xb6: {  	v27 =	vadd.f32 $5.000000000e+00, v36  }
0xb7: {  	v26 =	vmax.f32 v26, $0.0e+00;
	v28 =	vadd.f32 $5.000000000e+00, v37  }
0xb8: {  	v26 =	vmin.f32 v26, $2.550000000e+02;
	v27 =	vmul.f32 $2.560000040e+01, v27  }
0xb9: {  	v26 =	vtrunc.f32 v26;
	v29 =	vadd.f32 $5.000000000e+00, v29;
	v28 =	vmul.f32 $2.560000040e+01, v28  }
0xba: {  	v26 =	vcvt.f32.s32 v26;
	v27 =	vmax.f32 v27, $0.0e+00  }
0xbb: {  	[tilespmem:v22+s11+$0x0] =	vst.idx.add.f32.msk $0xffff, v3;
	v29 =	vmul.f32 $2.560000040e+01, v29;
	v38 =	vmin.f32 v27, $2.550000000e+02;
	v39 =	vmax.f32 v28, $0.0e+00  }
0xbc: {  	[tilespmem:v21+s11+$0x0] =	vst.idx.add.f32.msk $0xffff, v3;
	v40 =	vmin.f32 v39, $2.550000000e+02;
	v22 =	vtrunc.f32 v38  }
0xbd: {  	v42 =	vld [tilespmem:s20+$0xFFFFFE90];
	v41 =	vmax.f32 v29, $0.0e+00;
	v21 =	vtrunc.f32 v40;
	v22 =	vcvt.f32.s32 v22  }
0xbe: {  	v27 =	vmin.f32 v41, $2.550000000e+02;
	v21 =	vcvt.f32.s32 v21  }
0xbf: {  	v30 =	vld [tilespmem:s20+$0x90];
	v27 =	vtrunc.f32 v27  }
0xc0: {  	v43 =	vld [tilespmem:s20+$0xFFFFFF90];
	v44 =	vcvt.f32.s32 v27  }
0xc1: {  	[tilespmem:v26+s11+$0x0] =	vst.idx.add.f32.msk $0xffff, v3  }
0xc2: {  	v47 =	vadd.f32 $5.000000000e+00, v42;
	v45 =	vld [tilespmem:s21+$0x190]  }
0xc3: {  	[tilespmem:v22+s11+$0x0] =	vst.idx.add.f32.msk $0xffff, v3  }
0xc4: {  	v46 =	vtrunc.f32 v24;
	v51 =	vadd.f32 $5.000000000e+00, v30;
	v24 =	vmul.f32 $2.560000040e+01, v47;
	[tilespmem:v21+s11+$0x0] =	vst.idx.add.f32.msk $0xffff, v3  }
0xc5: {  	v25 =	vtrunc.f32 v25;
	v23 =	vtrunc.f32 v23;
	v48 =	vadd.f32 $5.000000000e+00, v43;
	v53 =	vld [tilespmem:s21+$0xFFFFFE90]  }
0xc6: {  	v20 =	vcvt.f32.s32 v20;
	v24 =	vmax.f32 v24, $0.0e+00;
	v26 =	vmul.f32 $2.560000040e+01, v51;
	[tilespmem:v44+s11+$0x0] =	vst.idx.add.f32.msk $0xffff, v3  }
0xc7: {  	v25 =	vcvt.f32.s32 v25;
	v52 =	vmul.f32 $2.560000040e+01, v48;
	v24 =	vmin.f32 v24, $2.550000000e+02;
	v54 =	vld [tilespmem:s21+$0xFFFFFF90]  }
0xc8: {  	v49 =	vcvt.f32.s32 v23;
	v24 =	vtrunc.f32 v24;
	v26 =	vmax.f32 v26, $0.0e+00;
	v55 =	vld [tilespmem:s21+$0x90]  }
0xc9: {  	v26 =	vmin.f32 v26, $2.550000000e+02;
	v50 =	vadd.f32 $5.000000000e+00, v45;
	v27 =	vmax.f32 v52, $0.0e+00  }
0xca: {  	v24 =	vcvt.f32.s32 v24;
	v26 =	vtrunc.f32 v26;
	v27 =	vmin.f32 v27, $2.550000000e+02  }
0xcb: {  	v23 =	vmul.f32 $2.560000040e+01, v50;
	v27 =	vtrunc.f32 v27;
	v28 =	vadd.f32 $5.000000000e+00, v53  }
0xcc: {  	v56 =	vcvt.f32.s32 v26;
	v27 =	vcvt.f32.s32 v27;
	v29 =	vadd.f32 $5.000000000e+00, v54  }
0xcd: {  	v23 =	vmax.f32 v23, $0.0e+00;
	v28 =	vmul.f32 $2.560000040e+01, v28;
	v30 =	vadd.f32 $5.000000000e+00, v55  }
0xce: {  	v22 =	vcvt.f32.s32 v46;
	v23 =	vmin.f32 v23, $2.550000000e+02;
	v29 =	vmul.f32 $2.560000040e+01, v29  }
0xcf: {  	v23 =	vtrunc.f32 v23;
	v28 =	vmax.f32 v28, $0.0e+00;
	v30 =	vmul.f32 $2.560000040e+01, v30  }
0xd0: {  	[tilespmem:v20+s11+$0x0] =	vst.idx.add.f32.msk $0xffff, v3;
	v23 =	vcvt.f32.s32 v23;
	v57 =	vmin.f32 v28, $2.550000000e+02;
	v58 =	vmax.f32 v29, $0.0e+00  }
0xd1: {  	[tilespmem:v25+s11+$0x0] =	vst.idx.add.f32.msk $0xffff, v3;
	v20 =	vmin.f32 v58, $2.550000000e+02;
	v26 =	vtrunc.f32 v57;
	v59 =	vmax.f32 v30, $0.0e+00  }
0xd2: {  	[tilespmem:v49+s11+$0x0] =	vst.idx.add.f32.msk $0xffff, v3;
	v60 =	vmin.f32 v59, $2.550000000e+02;
	v20 =	vtrunc.f32 v20;
	v26 =	vcvt.f32.s32 v26  }
0xd3: {  	[tilespmem:v24+s11+$0x0] =	vst.idx.add.f32.msk $0xffff, v3;
	v21 =	vtrunc.f32 v60;
	v20 =	vcvt.f32.s32 v20  }
0xd4: {  	[tilespmem:v56+s11+$0x0] =	vst.idx.add.f32.msk $0xffff, v3;
	v21 =	vcvt.f32.s32 v21  }
0xd5: {  	[tilespmem:v27+s11+$0x0] =	vst.idx.add.f32.msk $0xffff, v3  }
0xd6: {  	[tilespmem:v22+s11+$0x0] =	vst.idx.add.f32.msk $0xffff, v3  }
0xd7: {  	[tilespmem:v23+s11+$0x0] =	vst.idx.add.f32.msk $0xffff, v3  }
0xd8: {  	[tilespmem:v26+s11+$0x0] =	vst.idx.add.f32.msk $0xffff, v3  }
0xd9: {  	[tilespmem:v20+s11+$0x0] =	vst.idx.add.f32.msk $0xffff, v3  }
0xda: {  	[tilespmem:v21+s11+$0x0] =	vst.idx.add.f32.msk $0xffff, v3  }
0xdb: {  	v20 =	vld.idx.msk [tilespmem:v1+s11+$0x0], $0xffff  }
0xdc: {  	v21 =	vld.idx.msk [tilespmem:v4+s11+$0x0], $0xffff  }
0xdd: {  	v22 =	vld.idx.msk [tilespmem:v5+s11+$0x0], $0xffff  }
0xde: {  	v23 =	vld.idx.msk [tilespmem:v6+s11+$0x0], $0xffff  }
0xdf: {  	v24 =	vld.idx.msk [tilespmem:v7+s11+$0x0], $0xffff  }
0xe0: {  	v25 =	vld.idx.msk [tilespmem:v8+s11+$0x0], $0xffff  }
0xe1: {  	v26 =	vld.idx.msk [tilespmem:v9+s11+$0x0], $0xffff  }
0xe2: {  	v27 =	vld.idx.msk [tilespmem:v10+s11+$0x0], $0xffff  }
0xe3: {  	v61 =	vld.idx.msk [tilespmem:v11+s11+$0x0], $0xffff  }
0xe4: {  	v62 =	vld.idx.msk [tilespmem:v12+s11+$0x0], $0xffff  }
0xe5: {  	v63 =	vld.idx.msk [tilespmem:v13+s11+$0x0], $0xffff  }
0xe6: {  	v31 =	vld.idx.msk [tilespmem:v14+s11+$0x0], $0xffff  }
0xe7: {  	v32 =	vld.idx.msk [tilespmem:v15+s11+$0x0], $0xffff  }
0xe8: {  	v33 =	vld.idx.msk [tilespmem:v16+s11+$0x0], $0xffff  }
0xe9: {  	v34 =	vld.idx.msk [tilespmem:v17+s11+$0x0], $0xffff  }
0xea: {  	v35 =	vld.idx.msk [tilespmem:v18+s11+$0x0], $0xffff;
	_ =	sdelay $0x1  }
0xeb: {  	v20 =	vadd.f32 v21, v20;
	v36 =	vadd.f32 v23, v22  }
0xec: {  	v37 =	vadd.f32 v25, v24;
	v38 =	vadd.f32 v27, v26  }
0xed: {  	v39 =	vadd.f32 v62, v61;
	v40 =	vadd.f32 v31, v63  }
0xee: {  	v41 =	vadd.f32 v33, v32;
	v42 =	vadd.f32 v35, v34  }
0xef: {  	v20 =	vadd.f32 v36, v20;
	v43 =	vadd.f32 v38, v37  }
0xf0: {  	v44 =	vadd.f32 v40, v39;
	v45 =	vadd.f32 v42, v41;
	_ =	sdelay $0x1  }
0xf1: {  	v20 =	vadd.f32 v43, v20;
	v46 =	vadd.f32 v45, v44;
	_ =	sdelay $0x1  }
0xf2: {  	v47 =	vld [tilespmem:$0x10000];
	v20 =	vadd.f32 v46, v20  }
0xf3: {  	v48 =	vld [tilespmem:$0x10010]  }
0xf4: {  	v49 =	vld [tilespmem:$0x10020];
	(xrf2) =	vadd.scan.msk.f32 $0xffff, v20  }
0xf5: {  	v50 =	vld [tilespmem:$0x10030]  }
0xf6: {  	v51 =	vld [tilespmem:$0x10040]  }
0xf7: {  	(xrf2) =	vadd.scan.msk.f32 $0xffff, v47  }
0xf8: {  	(xrf2) =	vadd.scan.msk.f32 $0xffff, v48  }
0xf9: {  	(xrf2) =	vadd.scan.msk.f32 $0xffff, v49  }
0xfa: {  	(xrf2) =	vadd.scan.msk.f32 $0xffff, v50  }
0xfb: {  	(xrf2) =	vadd.scan.msk.f32 $0xffff, v51;
	_ =	sdelay $0x1  }
0xfc: {  	v53 =	vld [tilespmem:$0x10050]  }
0xfd: {  	v55 =	vld [tilespmem:$0x10060];
	v52, _, _ =	vpop (xrf2)  }
0xfe: {  	v20 =	vsub.f32 v52, v20;
	_ =	sdelay $0x1  }
0xff: {  	v58 =	vld [tilespmem:$0x10070];
	v56, _, _ =	vpop (xrf2);
	v54 =	vbroadcast v20, $0x0  }
0x100: {  	v63 =	vld [tilespmem:$0x10080];
	(xrf2) =	vadd.scan.msk.f32 $0xffff, v53;
	v59, _, _ =	vpop (xrf2);
	v57 =	vbroadcast v20, $0x1;
	v60 =	vbroadcast v20, $0x2  }
0x101: {  	v32 =	vld [tilespmem:$0x10090];
	(xrf2) =	vadd.scan.msk.f32 $0xffff, v55;
	v62, _, _ =	vpop (xrf2);
	v33 =	vbroadcast v20, $0x3;
	v35 =	vbroadcast v20, $0x4  }
0x102: {  	v41 =	vbroadcast v20, $0x5;
	v44 =	vbroadcast v20, $0x6;
	v34, _, _ =	vpop (xrf2)  }
0x103: {  	v46 =	vbroadcast v20, $0x7;
	v22 =	vadd.f32 v54, v56;
	v24 =	vadd.f32 v57, v59;
	v36, _, _ =	vpop (xrf2)  }
0x104: {  	(xrf2) =	vadd.scan.msk.f32 $0xffff, v58;
	v52 =	vbroadcast v20, $0x8;
	v25 =	vadd.f32 v34, v33;
	v38 =	vadd.f32 v36, v35  }
0x105: {  	v39 =	vld [tilespmem:$0x100A0];
	(xrf2) =	vadd.scan.msk.f32 $0xffff, v63;
	v54 =	vbroadcast v20, $0x9;
	v61 =	vsub.f32 $1.024000000e+03, v22;
	v22 =	vadd.f32 v60, v62  }
0x106: {  	v40 =	vld [tilespmem:$0x100B0];
	(xrf2) =	vadd.scan.msk.f32 $0xffff, v32;
	v36 =	vbroadcast v20, $0xC;
	v24 =	vsub.f32 $1.024000000e+03, v24;
	v37 =	vsub.f32 $1.024000000e+03, v25  }
0x107: {  	v43 =	vld [tilespmem:$0x100C0];
	v60 =	vbroadcast v20, $0xA;
	v21 =	vmul.f32 $-1.000500280e-03, v61;
	v22 =	vsub.f32 $1.024000000e+03, v22  }
0x108: {  	v62 =	vbroadcast v20, $0xB;
	v25 =	vsub.f32 $1.024000000e+03, v38;
	v24 =	vmul.f32 $-1.000500280e-03, v24  }
0x109: {  	v47 =	vld [tilespmem:$0x100D0];
	v21 =	vmul.f32 $1.442695020e+00, v21;
	v22 =	vmul.f32 $-1.000500280e-03, v22  }
0x10a: {  	v50 =	vld [tilespmem:$0x100E0];
	v25 =	vmul.f32 $-1.000500280e-03, v25;
	v24 =	vmul.f32 $1.442695020e+00, v24;
	v42, _, _ =	vpop (xrf2);
	(xrf2) =	vadd.scan.msk.f32 $0xffff, v39  }
0x10b: {  	v51 =	vld [tilespmem:$0x100F0];
	v45, _, _ =	vpop (xrf2);
	(xrf2) =	vadd.scan.msk.f32 $0xffff, v40;
	(erf) = vpow2.f32 v21;
	v22 =	vmul.f32 $1.442695020e+00, v22  }
0x10c: {  	v21 =	vmul.f32 $-1.000500280e-03, v37;
	(xrf2) =	vadd.scan.msk.f32 $0xffff, v43;
	(erf) = vpow2.f32 v24  }
0x10d: {  	v27 =	vadd.f32 v45, v44;
	(erf) = vpow2.f32 v22;
	v22 =	vadd.f32 v42, v41  }
0x10e: {  	v39 =	vbroadcast v20, $0xD;
	v25 =	vmul.f32 $1.442695020e+00, v25;
	v49, _, _ =	vpop (xrf2);
	(xrf2) =	vadd.scan.msk.f32 $0xffff, v47  }
0x10f: {  	v21 =	vmul.f32 $1.442695020e+00, v21;
	v27 =	vsub.f32 $1.024000000e+03, v27;
	v53, _, _ =	vpop (xrf2);
	(xrf2) =	vadd.scan.msk.f32 $0xffff, v50;
	v48 =	vsub.f32 $1.024000000e+03, v22  }
0x110: {  	v41 =	vbroadcast v20, $0xE;
	v20 =	vbroadcast v20, $0xF;
	v56, _, _ =	vpop (xrf2);
	(xrf2) =	vadd.scan.msk.f32 $0xffff, v51;
	v22 =	vadd.f32 v49, v46  }
0x111: {  	(erf) = vpow2.f32 v21;
	v26 =	vadd.f32 v56, v54;
	v21 =	vmul.f32 $-1.000500280e-03, v48  }
0x112: {  	v55 =	vadd.f32 v53, v52;
	v57 =	vmul.f32 $-1.000500280e-03, v27;
	v22 =	vsub.f32 $1.024000000e+03, v22  }
0x113: {  	(erf) = vpow2.f32 v25;
	v59 =	vsub.f32 $1.024000000e+03, v26;
	v21 =	vmul.f32 $1.442695020e+00, v21  }
0x114: {  	v58 =	vsub.f32 $1.024000000e+03, v55;
	v23 =	vmul.f32 $1.442695020e+00, v57;
	v22 =	vmul.f32 $-1.000500280e-03, v22;
	v61, _, _ =	vpop (xrf2)  }
0x115: {  	v24 =	vmul.f32 $-1.000500280e-03, v59;
	v63, _, _ =	vpop (xrf2);
	v32 =	vadd.f32 v61, v60;
	(erf) = vpow2.f32 v21  }
0x116: {  	v22 =	vmul.f32 $1.442695020e+00, v22;
	v21 =	vmul.f32 $-1.000500280e-03, v58;
	v34 =	vadd.f32 v63, v62;
	v37, _, _ =	vpop (xrf2)  }
0x117: {  	v33 =	vmul.f32 $1.442695020e+00, v24;
	(erf) = vpow2.f32 v23;
	v23 =	vadd.f32 v37, v36  }
0x118: {  	v35 =	vsub.f32 $1.024000000e+03, v32;
	v40, _, _ =	vpop (xrf2);
	v21 =	vmul.f32 $1.442695020e+00, v21;
	v38 =	vsub.f32 $1.024000000e+03, v34  }
0x119: {  	(erf) = vpow2.f32 v22;
	v42, _, _ =	vpop (xrf2);
	v24 =	vadd.f32 v40, v39;
	v23 =	vsub.f32 $1.024000000e+03, v23  }
0x11a: {  	v25 =	vadd.f32 v42, v41;
	v43, _, _ =	vpop (xrf2);
	(erf) = vpow2.f32 v21;
	v21 =	vmul.f32 $-1.000500280e-03, v35  }
0x11b: {  	v22 =	vmul.f32 $-1.000500280e-03, v38;
	v24 =	vsub.f32 $1.024000000e+03, v24;
	v20 =	vadd.f32 v43, v20  }
0x11c: {  	(erf) = vpow2.f32 v33;
	v44 =	vmul.f32 $-1.000500280e-03, v23;
	v45 =	vsub.f32 $1.024000000e+03, v25  }
0x11d: {  	v21 =	vmul.f32 $1.442695020e+00, v21;
	v22 =	vmul.f32 $1.442695020e+00, v22  }
0x11e: {  	v47 =	vmul.f32 $-1.000500280e-03, v24;
	v20 =	vsub.f32 $1.024000000e+03, v20;
	v23 =	vmul.f32 $-1.000500280e-03, v45  }
0x11f: {  	v46 =	vpop (erf);
	(erf) = vpow2.f32 v21;
	v21 =	vmul.f32 $1.442695020e+00, v44  }
0x120: {  	v48 =	vpop (erf);
	v20 =	vmul.f32 $-1.000500280e-03, v20;
	(erf) = vpow2.f32 v22  }
0x121: {  	v49 =	vpop (erf);
	v22 =	vmul.f32 $1.442695020e+00, v47;
	v51 =	vmul.f32 $1.442695020e+00, v23  }
0x122: {  	v50 =	vpop (erf);
	(erf) = vpow2.f32 v21;
	v20 =	vmul.f32 $1.442695020e+00, v20  }
0x123: {  	v52 =	vpop (erf);
	(erf) = vpow2.f32 v22  }
0x124: {  	v53 =	vpop (erf);
	(erf) = vpow2.f32 v51  }
0x125: {  	v54 =	vpop (erf);
	(erf) = vpow2.f32 v20  }
0x126: {  	v20 =	vpop (erf)  }
0x127: {  	v55 =	vpop (erf)  }
0x128: {  	v25 =	vadd.f32 $0.0e+00, v46;
	v24 =	vadd.f32 $0.0e+00, v48;
	v56 =	vpop (erf)  }
0x129: {  	v26 =	vadd.f32 $0.0e+00, v49;
	v27 =	vadd.f32 $0.0e+00, v50;
	v57 =	vpop (erf)  }
0x12a: {  	v23 =	vadd.f32 v52, v25;
	v22 =	vadd.f32 v53, v24;
	v58 =	vpop (erf)  }
0x12b: {  	v21 =	vadd.f32 v54, v26;
	v20 =	vadd.f32 v20, v27;
	v59 =	vpop (erf)  }
0x12c: {  	v23 =	vadd.f32 v55, v23;
	v22 =	vadd.f32 v56, v22;
	v60 =	vpop (erf)  }
0x12d: {  	v21 =	vadd.f32 v57, v21;
	v20 =	vadd.f32 v58, v20;
	v61 =	vpop (erf)  }
0x12e: {  	v23 =	vadd.f32 v59, v23;
	v22 =	vadd.f32 v60, v22;
	v62 =	vpop (erf)  }
0x12f: {  	v21 =	vadd.f32 v61, v21;
	v20 =	vadd.f32 v62, v20;
	_ =	sdelay $0x1  }
0x130: {  	v22 =	vadd.f32 v22, v23;
	v20 =	vadd.f32 v20, v21;
	_ =	sdelay $0x1  }
0x131: {  	v20 =	vadd.f32 v20, v22;
	_ =	sdelay $0x1  }
0x132: {  	(xrf2) =	vadd.scan.msk.f32 $0xffff, v20;
	_ =	sdelay $0x5  }
0x133: {  	[tilespmem:$0x10000] =	vst v2  }
0x134: {  	[tilespmem:$0x10010] =	vst v2  }
0x135: {  	[tilespmem:$0x10020] =	vst v2  }
0x136: {  	[tilespmem:$0x10030] =	vst v2  }
0x137: {  	[tilespmem:$0x10040] =	vst v2;
	v20, _, _ =	vpop (xrf2)  }
0x138: {  	[tilespmem:$0x10050] =	vst v2;
	v20 =	vadd.f32 $-1.000000000e+00, v20  }
0x139: {  	[tilespmem:$0x10060] =	vst v2  }
0x13a: {  	[tilespmem:$0x10070] =	vst v2;
	v20 =	vmul.f32 $-3.906250000e-02, v20  }
0x13b: {  	[tilespmem:$0x10080] =	vst v2  }
0x13c: {  	[tilespmem:$0x10090] =	vst v2;
	v63 =	vmov s18;
	s18 =	sadd.s32 $0x1, s18;
	v20 =	vadd.f32 $6.768314840e+00, v20  }
0x13d: {  	[tilespmem:$0x100A0] =	vst v2;
	p0 =	sne.s32 s18, $0x8  }
.Ltmp1:
0x13e: {  	[tilespmem:$0x100B0] =	vst v2;
	v20 =	vmul.f32 $1.559993030e+00, v20;
	(pc) =	sbr.rel @p0 .LBB2_3-.Ltmp1, $4  }
0x13f: {  	[tilespmem:$0x100C0] =	vst v2  }
0x140: {  	[tilespmem:$0x100D0] =	vst v2;
	v20 =	vbroadcast v20, $0xF  }
0x141: {  	[tilespmem:$0x100E0] =	vst v2;
	vm0 =	veq.s32 v63, v0  }
0x142: {  	s19 =	sadd.s32 $0x1000, s19;
	[tilespmem:$0x100F0] =	vst v2;
	v19 =	vsel vm0, v20, v19  }
0x143: {  	p0 =	seq.s32 s16, $0x17  }
0x144: {  	s17 =	sadd.s32 @!p0 s17, s6  }
0x145: {  	s17 =	sshrl.u32 @!p0 s17, $0x3  }
0x146: {  	s18 =	simm.s32 @!p0 $0x0;
	s17 =	sadd.s32 @!p0 s3, s17  }
0x147: {  	[tilespmem:s18], [sflag:$0x1] =	stream.linear.gather @!p0 [hbm4b:s17+s18], $0x8000, $0x38;
	[tilespmem:$0x10280] =	vst v63  }
0x148: {  	_ =	swait.ge [sflag:s12], $0x8000  }
0x149: {  	[sflag:s12] =	ssyncset.done $0x0  }
0x14a: {  	s17 =	simm.s32 $0x0;
	s18 =	simm.s32 $0x8200;
	[sflag:s12] =	ssyncadd.s32 $0xFFFF8000  }
.LBB2_7:
0x14b: {  	v20 =	vld [tilespmem:s18+$0x100];
	_ =	sdelay $0x3  }
0x14c: {  	v21 =	vld [tilespmem:s18+$0xFFFFFF00]  }
0x14d: {  	v22 =	vld [tilespmem:s18+$0xFFFFFE00];
	v20 =	vadd.f32 $5.000000000e+00, v20;
	_ =	sdelay $0x1  }
0x14e: {  	v20 =	vmul.f32 $2.560000040e+01, v20  }
0x14f: {  	v23 =	vld [tilespmem:s18+$0x0]  }
0x150: {  	v21 =	vadd.f32 $5.000000000e+00, v21;
	v20 =	vmax.f32 v20, $0.0e+00  }
0x151: {  	v22 =	vadd.f32 $5.000000000e+00, v22;
	v20 =	vmin.f32 v20, $2.550000000e+02  }
0x152: {  	v21 =	vmul.f32 $2.560000040e+01, v21;
	v20 =	vtrunc.f32 v20  }
0x153: {  	v22 =	vmul.f32 $2.560000040e+01, v22;
	v20 =	vcvt.f32.s32 v20  }
0x154: {  	v23 =	vadd.f32 $5.000000000e+00, v23;
	v21 =	vmax.f32 v21, $0.0e+00  }
0x155: {  	v22 =	vmax.f32 v22, $0.0e+00;
	v21 =	vmin.f32 v21, $2.550000000e+02  }
0x156: {  	v23 =	vmul.f32 $2.560000040e+01, v23;
	v22 =	vmin.f32 v22, $2.550000000e+02;
	v21 =	vtrunc.f32 v21  }
0x157: {  	v22 =	vtrunc.f32 v22;
	v21 =	vcvt.f32.s32 v21  }
0x158: {  	v23 =	vmax.f32 v23, $0.0e+00;
	v22 =	vcvt.f32.s32 v22  }
0x159: {  	v23 =	vmin.f32 v23, $2.550000000e+02;
	[tilespmem:v20+s11+$0x0] =	vst.idx.add.f32.msk $0xffff, v3  }
0x15a: {  	v20 =	vtrunc.f32 v23;
	v23 =	vld [tilespmem:s18+$0x110]  }
0x15b: {  	s19 =	sadd.s32 $0x400, s18;
	v20 =	vcvt.f32.s32 v20  }
0x15c: {  	v24 =	vld [tilespmem:s19+$0x100]  }
0x15d: {  	[tilespmem:v21+s11+$0x0] =	vst.idx.add.f32.msk $0xffff, v3  }
0x15e: {  	[tilespmem:v22+s11+$0x0] =	vst.idx.add.f32.msk $0xffff, v3  }
0x15f: {  	v22 =	vld [tilespmem:s18+$0xFFFFFE10];
	v21 =	vadd.f32 $5.000000000e+00, v23  }
0x160: {  	v23 =	vld [tilespmem:s18+$0xFFFFFF10]  }
0x161: {  	[tilespmem:v20+s11+$0x0] =	vst.idx.add.f32.msk $0xffff, v3;
	v20 =	vmul.f32 $2.560000040e+01, v21  }
0x162: {  	v21 =	vld [tilespmem:s18+$0x10]  }
0x163: {  	v25 =	vld [tilespmem:s19+$0xFFFFFF00];
	v20 =	vmax.f32 v20, $0.0e+00  }
0x164: {  	v22 =	vadd.f32 $5.000000000e+00, v22;
	v20 =	vmin.f32 v20, $2.550000000e+02  }
0x165: {  	v23 =	vadd.f32 $5.000000000e+00, v23;
	v20 =	vtrunc.f32 v20  }
0x166: {  	v22 =	vmul.f32 $2.560000040e+01, v22;
	v20 =	vcvt.f32.s32 v20  }
0x167: {  	v21 =	vadd.f32 $5.000000000e+00, v21;
	v23 =	vmul.f32 $2.560000040e+01, v23  }
0x168: {  	v26 =	vld [tilespmem:s19+$0xFFFFFE00];
	v24 =	vadd.f32 $5.000000000e+00, v24;
	v25 =	vadd.f32 $5.000000000e+00, v25;
	v22 =	vmax.f32 v22, $0.0e+00  }
0x169: {  	v27 =	vld [tilespmem:s19+$0x0];
	v22 =	vmin.f32 v22, $2.550000000e+02;
	v21 =	vmul.f32 $2.560000040e+01, v21;
	v23 =	vmax.f32 v23, $0.0e+00  }
0x16a: {  	v24 =	vmul.f32 $2.560000040e+01, v24;
	v22 =	vtrunc.f32 v22;
	v23 =	vmin.f32 v23, $2.550000000e+02  }
0x16b: {  	v22 =	vcvt.f32.s32 v22;
	v21 =	vmax.f32 v21, $0.0e+00;
	v23 =	vtrunc.f32 v23  }
0x16c: {  	[tilespmem:v20+s11+$0x0] =	vst.idx.add.f32.msk $0xffff, v3;
	v20 =	vmin.f32 v21, $2.550000000e+02;
	v21 =	vcvt.f32.s32 v23;
	v23 =	vmax.f32 v24, $0.0e+00  }
0x16d: {  	v26 =	vadd.f32 $5.000000000e+00, v26;
	v20 =	vtrunc.f32 v20;
	v23 =	vmin.f32 v23, $2.550000000e+02  }
0x16e: {  	v27 =	vadd.f32 $5.000000000e+00, v27;
	v24 =	vld [tilespmem:s18+$0x180];
	v20 =	vcvt.f32.s32 v20;
	v23 =	vtrunc.f32 v23  }
0x16f: {  	v25 =	vmul.f32 $2.560000040e+01, v25;
	v23 =	vcvt.f32.s32 v23  }
0x170: {  	v26 =	vmul.f32 $2.560000040e+01, v26;
	v27 =	vmul.f32 $2.560000040e+01, v27  }
0x171: {  	v25 =	vmax.f32 v25, $0.0e+00  }
0x172: {  	[tilespmem:v22+s11+$0x0] =	vst.idx.add.f32.msk $0xffff, v3;
	v22 =	vmin.f32 v25, $2.550000000e+02;
	v25 =	vmax.f32 v26, $0.0e+00;
	v26 =	vmax.f32 v27, $0.0e+00  }
0x173: {  	v24 =	vadd.f32 $5.000000000e+00, v24;
	[tilespmem:v21+s11+$0x0] =	vst.idx.add.f32.msk $0xffff, v3;
	v21 =	vtrunc.f32 v22;
	v22 =	vmin.f32 v25, $2.550000000e+02  }
0x174: {  	v21 =	vcvt.f32.s32 v21;
	v22 =	vtrunc.f32 v22;
	[tilespmem:v20+s11+$0x0] =	vst.idx.add.f32.msk $0xffff, v3;
	v20 =	vmin.f32 v26, $2.550000000e+02  }
0x175: {  	v22 =	vcvt.f32.s32 v22;
	v20 =	vtrunc.f32 v20;
	[tilespmem:v23+s11+$0x0] =	vst.idx.add.f32.msk $0xffff, v3  }
0x176: {  	v23 =	vmul.f32 $2.560000040e+01, v24;
	v20 =	vcvt.f32.s32 v20;
	v24 =	vld [tilespmem:s19+$0x110]  }
0x177: {  	v25 =	vld [tilespmem:s18+$0xFFFFFE80]  }
0x178: {  	v26 =	vld [tilespmem:s18+$0xFFFFFF80];
	v23 =	vmax.f32 v23, $0.0e+00  }
0x179: {  	v27 =	vld [tilespmem:s18+$0x80];
	v23 =	vmin.f32 v23, $2.550000000e+02  }
0x17a: {  	v23 =	vtrunc.f32 v23;
	[tilespmem:v21+s11+$0x0] =	vst.idx.add.f32.msk $0xffff, v3  }
0x17b: {  	v21 =	vcvt.f32.s32 v23;
	[tilespmem:v22+s11+$0x0] =	vst.idx.add.f32.msk $0xffff, v3;
	v22 =	vadd.f32 $5.000000000e+00, v24  }
0x17c: {  	v23 =	vadd.f32 $5.000000000e+00, v25;
	[tilespmem:v20+s11+$0x0] =	vst.idx.add.f32.msk $0xffff, v3  }
0x17d: {  	v20 =	vld [tilespmem:s19+$0xFFFFFE10];
	v22 =	vmul.f32 $2.560000040e+01, v22  }
0x17e: {  	s20 =	sadd.s32 $0x400, s19;
	v25 =	vld [tilespmem:s19+$0xFFFFFF10];
	v23 =	vmul.f32 $2.560000040e+01, v23  }
0x17f: {  	v29 =	vld [tilespmem:s20+$0xFFFFFF00];
	v24 =	vadd.f32 $5.000000000e+00, v26;
	v22 =	vmax.f32 v22, $0.0e+00  }
0x180: {  	v26 =	vadd.f32 $5.000000000e+00, v27;
	v27 =	vld [tilespmem:s19+$0x10];
	v23 =	vmax.f32 v23, $0.0e+00;
	v22 =	vmin.f32 v22, $2.550000000e+02  }
0x181: {  	v24 =	vmul.f32 $2.560000040e+01, v24;
	[tilespmem:v21+s11+$0x0] =	vst.idx.add.f32.msk $0xffff, v3;
	v21 =	vmin.f32 v23, $2.550000000e+02;
	v22 =	vtrunc.f32 v22  }
0x182: {  	v20 =	vadd.f32 $5.000000000e+00, v20;
	v21 =	vtrunc.f32 v21;
	v22 =	vcvt.f32.s32 v22  }
0x183: {  	v25 =	vadd.f32 $5.000000000e+00, v25;
	v23 =	vmax.f32 v24, $0.0e+00;
	v24 =	vld [tilespmem:s18+$0x190];
	v21 =	vcvt.f32.s32 v21  }
0x184: {  	v29 =	vadd.f32 $5.000000000e+00, v29;
	v23 =	vmin.f32 v23, $2.550000000e+02;
	v20 =	vmul.f32 $2.560000040e+01, v20  }
0x185: {  	v28 =	vld [tilespmem:s20+$0x100];
	v25 =	vmul.f32 $2.560000040e+01, v25;
	v27 =	vadd.f32 $5.000000000e+00, v27;
	v23 =	vtrunc.f32 v23  }
0x186: {  	v26 =	vmul.f32 $2.560000040e+01, v26;
	v23 =	vcvt.f32.s32 v23;
	v20 =	vmax.f32 v20, $0.0e+00  }
0x187: {  	v25 =	vmax.f32 v25, $0.0e+00;
	v27 =	vmul.f32 $2.560000040e+01, v27;
	v20 =	vmin.f32 v20, $2.550000000e+02  }
0x188: {  	v25 =	vmin.f32 v25, $2.550000000e+02;
	v24 =	vadd.f32 $5.000000000e+00, v24;
	v20 =	vtrunc.f32 v20;
	[tilespmem:v22+s11+$0x0] =	vst.idx.add.f32.msk $0xffff, v3  }
0x189: {  	v27 =	vmax.f32 v27, $0.0e+00;
	v20 =	vcvt.f32.s32 v20;
	v22 =	vtrunc.f32 v25;
	[tilespmem:v21+s11+$0x0] =	vst.idx.add.f32.msk $0xffff, v3  }
0x18a: {  	v25 =	vmin.f32 v27, $2.550000000e+02;
	v21 =	vadd.f32 $5.000000000e+00, v28;
	v24 =	vmul.f32 $2.560000040e+01, v24;
	v27 =	vld [tilespmem:s19+$0x180]  }
0x18b: {  	v26 =	vmax.f32 v26, $0.0e+00;
	v28 =	vld [tilespmem:s20+$0xFFFFFE00];
	v22 =	vcvt.f32.s32 v22;
	v25 =	vtrunc.f32 v25  }
0x18c: {  	v26 =	vmin.f32 v26, $2.550000000e+02;
	v25 =	vcvt.f32.s32 v25;
	v21 =	vmul.f32 $2.560000040e+01, v21  }
0x18d: {  	v30 =	vld [tilespmem:s20+$0x0];
	v29 =	vmul.f32 $2.560000040e+01, v29;
	v26 =	vtrunc.f32 v26  }
0x18e: {  	v26 =	vcvt.f32.s32 v26;
	[tilespmem:v23+s11+$0x0] =	vst.idx.add.f32.msk $0xffff, v3;
	v24 =	vmax.f32 v24, $0.0e+00;
	v21 =	vmax.f32 v21, $0.0e+00  }
0x18f: {  	v23 =	vmin.f32 v24, $2.550000000e+02;
	v21 =	vmin.f32 v21, $2.550000000e+02;
	v24 =	vadd.f32 $5.000000000e+00, v27;
	v27 =	vld [tilespmem:s18+$0xFFFFFE90]  }
0x190: {  	[tilespmem:v20+s11+$0x0] =	vst.idx.add.f32.msk $0xffff, v3;
	v20 =	vadd.f32 $5.000000000e+00, v28;
	v21 =	vtrunc.f32 v21  }
0x191: {  	v28 =	vmax.f32 v29, $0.0e+00;
	[tilespmem:v22+s11+$0x0] =	vst.idx.add.f32.msk $0xffff, v3;
	v21 =	vcvt.f32.s32 v21;
	v22 =	vmul.f32 $2.560000040e+01, v24  }
0x192: {  	v24 =	vadd.f32 $5.000000000e+00, v30;
	[tilespmem:v25+s11+$0x0] =	vst.idx.add.f32.msk $0xffff, v3;
	v20 =	vmul.f32 $2.560000040e+01, v20;
	v25 =	vmin.f32 v28, $2.550000000e+02  }
0x193: {  	v28 =	vld [tilespmem:s19+$0xFFFFFE80];
	v25 =	vtrunc.f32 v25;
	v22 =	vmax.f32 v22, $0.0e+00  }
0x194: {  	v29 =	vld [tilespmem:s19+$0xFFFFFF80];
	v24 =	vmul.f32 $2.560000040e+01, v24;
	v20 =	vmax.f32 v20, $0.0e+00;
	v22 =	vmin.f32 v22, $2.550000000e+02  }
0x195: {  	[tilespmem:v26+s11+$0x0] =	vst.idx.add.f32.msk $0xffff, v3;
	v25 =	vcvt.f32.s32 v25;
	v20 =	vmin.f32 v20, $2.550000000e+02;
	v22 =	vtrunc.f32 v22  }
0x196: {  	v30 =	vld [tilespmem:s19+$0x80];
	v20 =	vtrunc.f32 v20;
	v22 =	vcvt.f32.s32 v22  }
0x197: {  	v31 =	vld [tilespmem:s18+$0xFFFFFF90];
	v23 =	vtrunc.f32 v23;
	v24 =	vmax.f32 v24, $0.0e+00;
	v20 =	vcvt.f32.s32 v20  }
0x198: {  	v26 =	vadd.f32 $5.000000000e+00, v27;
	v24 =	vmin.f32 v24, $2.550000000e+02;
	[tilespmem:v21+s11+$0x0] =	vst.idx.add.f32.msk $0xffff, v3;
	v21 =	vadd.f32 $5.000000000e+00, v28  }
0x199: {  	v28 =	vadd.f32 $5.000000000e+00, v29;
	v29 =	vcvt.f32.s32 v23;
	v23 =	vld [tilespmem:s18+$0x90];
	v24 =	vtrunc.f32 v24  }
0x19a: {  	v26 =	vmul.f32 $2.560000040e+01, v26;
	v27 =	vld [tilespmem:s20+$0x110];
	v24 =	vcvt.f32.s32 v24  }
0x19b: {  	v30 =	vadd.f32 $5.000000000e+00, v30;
	v21 =	vmul.f32 $2.560000040e+01, v21;
	[tilespmem:v25+s11+$0x0] =	vst.idx.add.f32.msk $0xffff, v3  }
0x19c: {  	v26 =	vmax.f32 v26, $0.0e+00;
	v25 =	vmul.f32 $2.560000040e+01, v28;
	v28 =	vadd.f32 $5.000000000e+00, v31;
	[tilespmem:v22+s11+$0x0] =	vst.idx.add.f32.msk $0xffff, v3  }
0x19d: {  	v26 =	vmin.f32 v26, $2.550000000e+02;
	v30 =	vmul.f32 $2.560000040e+01, v30;
	v21 =	vmax.f32 v21, $0.0e+00;
	[tilespmem:v20+s11+$0x0] =	vst.idx.add.f32.msk $0xffff, v3  }
0x19e: {  	v21 =	vmin.f32 v21, $2.550000000e+02;
	v23 =	vadd.f32 $5.000000000e+00, v23;
	v22 =	vmax.f32 v25, $0.0e+00;
	v25 =	vld [tilespmem:s19+$0x190]  }
0x19f: {  	v20 =	vadd.f32 $5.000000000e+00, v27;
	v27 =	vmax.f32 v30, $0.0e+00;
	v21 =	vtrunc.f32 v21;
	v30 =	vld [tilespmem:s20+$0xFFFFFF10]  }
0x1a0: {  	v28 =	vmul.f32 $2.560000040e+01, v28;
	v22 =	vmin.f32 v22, $2.550000000e+02;
	v31 =	vcvt.f32.s32 v21;
	[tilespmem:v24+s11+$0x0] =	vst.idx.add.f32.msk $0xffff, v3  }
0x1a1: {  	v33 =	vmul.f32 $2.560000040e+01, v23;
	v24 =	vmin.f32 v27, $2.550000000e+02;
	v27 =	vld [tilespmem:s20+$0xFFFFFE10];
	v20 =	vmul.f32 $2.560000040e+01, v20  }
0x1a2: {  	v28 =	vmax.f32 v28, $0.0e+00;
	v22 =	vtrunc.f32 v22;
	v24 =	vtrunc.f32 v24;
	v32 =	vld [tilespmem:s20+$0x10]  }
0x1a3: {  	v20 =	vmax.f32 v20, $0.0e+00;
	v21 =	vcvt.f32.s32 v24;
	v24 =	vadd.f32 $5.000000000e+00, v25  }
0x1a4: {  	v22 =	vcvt.f32.s32 v22;
	v25 =	vmin.f32 v20, $2.550000000e+02;
	v20 =	vtrunc.f32 v26  }
0x1a5: {  	v23 =	vmin.f32 v28, $2.550000000e+02;
	v25 =	vtrunc.f32 v25;
	v24 =	vmul.f32 $2.560000040e+01, v24  }
0x1a6: {  	v28 =	vadd.f32 $5.000000000e+00, v27;
	v27 =	vadd.f32 $5.000000000e+00, v30;
	v26 =	vcvt.f32.s32 v25  }
0x1a7: {  	[tilespmem:v29+s11+$0x0] =	vst.idx.add.f32.msk $0xffff, v3;
	v25 =	vmax.f32 v33, $0.0e+00;
	v29 =	vadd.f32 $5.000000000e+00, v32;
	v30 =	vmax.f32 v24, $0.0e+00  }
0x1a8: {  	s21 =	simm.s32 $0x10;
	s22 =	sadd.s32 $0x400, s20;
	[tilespmem:v31+s11+$0x0] =	vst.idx.add.f32.msk $0xffff, v3;
	v28 =	vmul.f32 $2.560000040e+01, v28;
	v24 =	vmin.f32 v25, $2.550000000e+02;
	v25 =	vmin.f32 v30, $2.550000000e+02  }
.LBB2_8:
0x1a9: {  	v30 =	vld [tilespmem:s22+$0x100];
	s21 =	sadd.s32 $0x8, s21;
	v27 =	vmul.f32 $2.560000040e+01, v27;
	v25 =	vtrunc.f32 v25  }
0x1aa: {  	v31 =	vld [tilespmem:s22+$0xFFFFFF00];
	p0 =	slt.u32 s21, $0x18;
	v28 =	vmax.f32 v28, $0.0e+00;
	v29 =	vmul.f32 $2.560000040e+01, v29;
	v25 =	vcvt.f32.s32 v25  }
0x1ab: {  	v23 =	vtrunc.f32 v23;
	v32 =	vld [tilespmem:s22+$0x0];
	v28 =	vmin.f32 v28, $2.550000000e+02;
	v27 =	vmax.f32 v27, $0.0e+00  }
0x1ac: {  	v28 =	vtrunc.f32 v28;
	v27 =	vmin.f32 v27, $2.550000000e+02;
	v29 =	vmax.f32 v29, $0.0e+00;
	[tilespmem:v26+s11+$0x0] =	vst.idx.add.f32.msk $0xffff, v3  }
0x1ad: {  	v26 =	vcvt.f32.s32 v28;
	v27 =	vtrunc.f32 v27;
	v28 =	vmin.f32 v29, $2.550000000e+02;
	v29 =	vld [tilespmem:s20+$0x180]  }
0x1ae: {  	v33 =	vld [tilespmem:s22+$0xFFFFFE00];
	v30 =	vadd.f32 $5.000000000e+00, v30;
	v27 =	vcvt.f32.s32 v27;
	v28 =	vtrunc.f32 v28  }
0x1af: {  	v31 =	vadd.f32 $5.000000000e+00, v31;
	v28 =	vcvt.f32.s32 v28;
	[tilespmem:v22+s11+$0x0] =	vst.idx.add.f32.msk $0xffff, v3;
	v22 =	vtrunc.f32 v24  }
0x1b0: {  	v20 =	vcvt.f32.s32 v20;
	v24 =	vadd.f32 $5.000000000e+00, v32;
	v30 =	vmul.f32 $2.560000040e+01, v30;
	[tilespmem:v25+s11+$0x0] =	vst.idx.add.f32.msk $0xffff, v3  }
0x1b1: {  	v25 =	vmul.f32 $2.560000040e+01, v31;
	[tilespmem:v21+s11+$0x0] =	vst.idx.add.f32.msk $0xffff, v3;
	v31 =	vcvt.f32.s32 v23  }
0x1b2: {  	v21 =	vmul.f32 $2.560000040e+01, v24;
	v23 =	vmax.f32 v30, $0.0e+00;
	v24 =	vadd.f32 $5.000000000e+00, v29;
	v29 =	vld [tilespmem:s19+$0xFFFFFE90]  }
0x1b3: {  	v30 =	vadd.f32 $5.000000000e+00, v33;
	v25 =	vmax.f32 v25, $0.0e+00;
	v23 =	vmin.f32 v23, $2.550000000e+02;
	[tilespmem:v26+s11+$0x0] =	vst.idx.add.f32.msk $0xffff, v3  }
0x1b4: {  	v21 =	vmax.f32 v21, $0.0e+00;
	v23 =	vtrunc.f32 v23;
	[tilespmem:v27+s11+$0x0] =	vst.idx.add.f32.msk $0xffff, v3;
	v24 =	vmul.f32 $2.560000040e+01, v24  }
0x1b5: {  	v25 =	vmin.f32 v25, $2.550000000e+02;
	v26 =	vmul.f32 $2.560000040e+01, v30;
	v23 =	vcvt.f32.s32 v23;
	[tilespmem:v28+s11+$0x0] =	vst.idx.add.f32.msk $0xffff, v3  }
0x1b6: {  	v25 =	vtrunc.f32 v25;
	v21 =	vmin.f32 v21, $2.550000000e+02;
	v27 =	vld [tilespmem:s20+$0xFFFFFE80];
	v24 =	vmax.f32 v24, $0.0e+00  }
0x1b7: {  	v21 =	vtrunc.f32 v21;
	v26 =	vmax.f32 v26, $0.0e+00;
	v28 =	vld [tilespmem:s20+$0xFFFFFF80];
	v24 =	vmin.f32 v24, $2.550000000e+02  }
0x1b8: {  	v25 =	vcvt.f32.s32 v25;
	v26 =	vmin.f32 v26, $2.550000000e+02;
	v30 =	vld [tilespmem:s20+$0x80];
	v24 =	vtrunc.f32 v24  }
0x1b9: {  	v29 =	vadd.f32 $5.000000000e+00, v29;
	v26 =	vtrunc.f32 v26;
	v24 =	vcvt.f32.s32 v24;
	v32 =	vld [tilespmem:s19+$0xFFFFFF90]  }
0x1ba: {  	v21 =	vcvt.f32.s32 v21;
	v26 =	vcvt.f32.s32 v26;
	v33 =	vld [tilespmem:s19+$0x90];
	s19 =	smov.u32 s20;
	s20 =	smov.u32 s22  }
0x1bb: {  	[tilespmem:v23+s11+$0x0] =	vst.idx.add.f32.msk $0xffff, v3;
	v23 =	vadd.f32 $5.000000000e+00, v27;
	v27 =	vmul.f32 $2.560000040e+01, v29;
	v29 =	vcvt.f32.s32 v22  }
0x1bc: {  	v22 =	vld [tilespmem:s22+$0x110];
	v28 =	vadd.f32 $5.000000000e+00, v28  }
0x1bd: {  	v23 =	vmul.f32 $2.560000040e+01, v23;
	v30 =	vadd.f32 $5.000000000e+00, v30;
	v27 =	vmax.f32 v27, $0.0e+00;
	[tilespmem:v20+s11+$0x0] =	vst.idx.add.f32.msk $0xffff, v3  }
0x1be: {  	[tilespmem:v25+s11+$0x0] =	vst.idx.add.f32.msk $0xffff, v3;
	v20 =	vmul.f32 $2.560000040e+01, v28;
	v25 =	vmin.f32 v27, $2.550000000e+02;
	v27 =	vadd.f32 $5.000000000e+00, v32  }
0x1bf: {  	v23 =	vmax.f32 v23, $0.0e+00;
	v28 =	vmul.f32 $2.560000040e+01, v30;
	[tilespmem:v24+s11+$0x0] =	vst.idx.add.f32.msk $0xffff, v3;
	v24 =	vadd.f32 $5.000000000e+00, v33  }
0x1c0: {  	v23 =	vmin.f32 v23, $2.550000000e+02;
	v20 =	vmax.f32 v20, $0.0e+00;
	v30 =	vld [tilespmem:s19+$0x190];
	v27 =	vmul.f32 $2.560000040e+01, v27  }
0x1c1: {  	[tilespmem:v26+s11+$0x0] =	vst.idx.add.f32.msk $0xffff, v3;
	v22 =	vadd.f32 $5.000000000e+00, v22;
	v20 =	vmin.f32 v20, $2.550000000e+02;
	v26 =	vmax.f32 v28, $0.0e+00  }
0x1c2: {  	[tilespmem:v21+s11+$0x0] =	vst.idx.add.f32.msk $0xffff, v3;
	v21 =	vtrunc.f32 v23;
	v20 =	vtrunc.f32 v20;
	v23 =	vmin.f32 v26, $2.550000000e+02  }
0x1c3: {  	v26 =	vld [tilespmem:s22+$0xFFFFFE10];
	v28 =	vmul.f32 $2.560000040e+01, v22;
	v32 =	vtrunc.f32 v23;
	v23 =	vmax.f32 v27, $0.0e+00  }
0x1c4: {  	v33 =	vcvt.f32.s32 v21;
	v22 =	vcvt.f32.s32 v20;
	v27 =	vld [tilespmem:s22+$0xFFFFFF10];
	v23 =	vmin.f32 v23, $2.550000000e+02  }
0x1c5: {  	v21 =	vcvt.f32.s32 v32;
	v34 =	vld [tilespmem:s22+$0x10];
	v20 =	vmax.f32 v28, $0.0e+00;
	v28 =	vadd.f32 $5.000000000e+00, v30  }
.Ltmp2:
0x1c6: {  	v24 =	vmul.f32 $2.560000040e+01, v24;
	v30 =	vmin.f32 v20, $2.550000000e+02;
	v20 =	vtrunc.f32 v25;
	[tilespmem:v31+s11+$0x0] =	vst.idx.add.f32.msk $0xffff, v3;
	(pc) =	sbr.rel @p0 .LBB2_8-.Ltmp2, $4  }
0x1c7: {  	v25 =	vtrunc.f32 v30;
	v28 =	vmul.f32 $2.560000040e+01, v28;
	[tilespmem:v29+s11+$0x0] =	vst.idx.add.f32.msk $0xffff, v3  }
0x1c8: {  	v24 =	vmax.f32 v24, $0.0e+00;
	v29 =	vadd.f32 $5.000000000e+00, v26;
	v26 =	vcvt.f32.s32 v25  }
0x1c9: {  	v24 =	vmin.f32 v24, $2.550000000e+02;
	v27 =	vadd.f32 $5.000000000e+00, v27;
	v25 =	vmax.f32 v28, $0.0e+00  }
0x1ca: {  	s22 =	sadd.s32 $0x400, s22;
	v28 =	vmul.f32 $2.560000040e+01, v29;
	v29 =	vadd.f32 $5.000000000e+00, v34;
	[tilespmem:v33+s11+$0x0] =	vst.idx.add.f32.msk $0xffff, v3;
	v25 =	vmin.f32 v25, $2.550000000e+02  }
0x1cb: {  	v27 =	vmul.f32 $2.560000040e+01, v27  }
0x1cc: {  	v28 =	vmax.f32 v28, $0.0e+00  }
0x1cd: {  	v28 =	vmin.f32 v28, $2.550000000e+02;
	v27 =	vmax.f32 v27, $0.0e+00  }
0x1ce: {  	v29 =	vmul.f32 $2.560000040e+01, v29;
	v28 =	vtrunc.f32 v28;
	v27 =	vmin.f32 v27, $2.550000000e+02  }
0x1cf: {  	v28 =	vcvt.f32.s32 v28;
	v27 =	vtrunc.f32 v27  }
0x1d0: {  	v29 =	vmax.f32 v29, $0.0e+00;
	v27 =	vcvt.f32.s32 v27  }
0x1d1: {  	v29 =	vmin.f32 v29, $2.550000000e+02  }
0x1d2: {  	v29 =	vtrunc.f32 v29  }
0x1d3: {  	[tilespmem:v26+s11+$0x0] =	vst.idx.add.f32.msk $0xffff, v3;
	v29 =	vcvt.f32.s32 v29  }
0x1d4: {  	v26 =	vld [tilespmem:s20+$0x180]  }
0x1d5: {  	[tilespmem:v28+s11+$0x0] =	vst.idx.add.f32.msk $0xffff, v3  }
0x1d6: {  	[tilespmem:v27+s11+$0x0] =	vst.idx.add.f32.msk $0xffff, v3  }
0x1d7: {  	v36 =	vld [tilespmem:s20+$0xFFFFFE80]  }
0x1d8: {  	v37 =	vld [tilespmem:s20+$0xFFFFFF80]  }
0x1d9: {  	v26 =	vadd.f32 $5.000000000e+00, v26;
	[tilespmem:v29+s11+$0x0] =	vst.idx.add.f32.msk $0xffff, v3  }
0x1da: {  	v29 =	vld [tilespmem:s20+$0x80]  }
0x1db: {  	v26 =	vmul.f32 $2.560000040e+01, v26  }
0x1dc: {  	v27 =	vadd.f32 $5.000000000e+00, v36  }
0x1dd: {  	v26 =	vmax.f32 v26, $0.0e+00;
	v28 =	vadd.f32 $5.000000000e+00, v37  }
0x1de: {  	v26 =	vmin.f32 v26, $2.550000000e+02;
	v27 =	vmul.f32 $2.560000040e+01, v27  }
0x1df: {  	v26 =	vtrunc.f32 v26;
	v29 =	vadd.f32 $5.000000000e+00, v29;
	v28 =	vmul.f32 $2.560000040e+01, v28  }
0x1e0: {  	v26 =	vcvt.f32.s32 v26;
	v27 =	vmax.f32 v27, $0.0e+00  }
0x1e1: {  	[tilespmem:v22+s11+$0x0] =	vst.idx.add.f32.msk $0xffff, v3;
	v29 =	vmul.f32 $2.560000040e+01, v29;
	v38 =	vmin.f32 v27, $2.550000000e+02;
	v39 =	vmax.f32 v28, $0.0e+00  }
0x1e2: {  	[tilespmem:v21+s11+$0x0] =	vst.idx.add.f32.msk $0xffff, v3;
	v40 =	vmin.f32 v39, $2.550000000e+02;
	v22 =	vtrunc.f32 v38  }
0x1e3: {  	v42 =	vld [tilespmem:s19+$0xFFFFFE90];
	v41 =	vmax.f32 v29, $0.0e+00;
	v21 =	vtrunc.f32 v40;
	v22 =	vcvt.f32.s32 v22  }
0x1e4: {  	v27 =	vmin.f32 v41, $2.550000000e+02;
	v21 =	vcvt.f32.s32 v21  }
0x1e5: {  	v30 =	vld [tilespmem:s19+$0x90];
	v27 =	vtrunc.f32 v27  }
0x1e6: {  	v43 =	vld [tilespmem:s19+$0xFFFFFF90];
	v44 =	vcvt.f32.s32 v27  }
0x1e7: {  	[tilespmem:v26+s11+$0x0] =	vst.idx.add.f32.msk $0xffff, v3  }
0x1e8: {  	v47 =	vadd.f32 $5.000000000e+00, v42;
	v45 =	vld [tilespmem:s20+$0x190]  }
0x1e9: {  	[tilespmem:v22+s11+$0x0] =	vst.idx.add.f32.msk $0xffff, v3  }
0x1ea: {  	v46 =	vtrunc.f32 v24;
	v51 =	vadd.f32 $5.000000000e+00, v30;
	v24 =	vmul.f32 $2.560000040e+01, v47;
	[tilespmem:v21+s11+$0x0] =	vst.idx.add.f32.msk $0xffff, v3  }
0x1eb: {  	v25 =	vtrunc.f32 v25;
	v23 =	vtrunc.f32 v23;
	v48 =	vadd.f32 $5.000000000e+00, v43;
	v53 =	vld [tilespmem:s20+$0xFFFFFE90]  }
0x1ec: {  	v20 =	vcvt.f32.s32 v20;
	v24 =	vmax.f32 v24, $0.0e+00;
	v26 =	vmul.f32 $2.560000040e+01, v51;
	[tilespmem:v44+s11+$0x0] =	vst.idx.add.f32.msk $0xffff, v3  }
0x1ed: {  	v25 =	vcvt.f32.s32 v25;
	v52 =	vmul.f32 $2.560000040e+01, v48;
	v24 =	vmin.f32 v24, $2.550000000e+02;
	v54 =	vld [tilespmem:s20+$0xFFFFFF90]  }
0x1ee: {  	v49 =	vcvt.f32.s32 v23;
	v24 =	vtrunc.f32 v24;
	v26 =	vmax.f32 v26, $0.0e+00;
	v55 =	vld [tilespmem:s20+$0x90]  }
0x1ef: {  	v26 =	vmin.f32 v26, $2.550000000e+02;
	v50 =	vadd.f32 $5.000000000e+00, v45;
	v27 =	vmax.f32 v52, $0.0e+00  }
0x1f0: {  	v24 =	vcvt.f32.s32 v24;
	v26 =	vtrunc.f32 v26;
	v27 =	vmin.f32 v27, $2.550000000e+02  }
0x1f1: {  	v23 =	vmul.f32 $2.560000040e+01, v50;
	v27 =	vtrunc.f32 v27;
	v28 =	vadd.f32 $5.000000000e+00, v53  }
0x1f2: {  	v56 =	vcvt.f32.s32 v26;
	v27 =	vcvt.f32.s32 v27;
	v29 =	vadd.f32 $5.000000000e+00, v54  }
0x1f3: {  	v23 =	vmax.f32 v23, $0.0e+00;
	v28 =	vmul.f32 $2.560000040e+01, v28;
	v30 =	vadd.f32 $5.000000000e+00, v55  }
0x1f4: {  	v22 =	vcvt.f32.s32 v46;
	v23 =	vmin.f32 v23, $2.550000000e+02;
	v29 =	vmul.f32 $2.560000040e+01, v29  }
0x1f5: {  	v23 =	vtrunc.f32 v23;
	v28 =	vmax.f32 v28, $0.0e+00;
	v30 =	vmul.f32 $2.560000040e+01, v30  }
0x1f6: {  	[tilespmem:v20+s11+$0x0] =	vst.idx.add.f32.msk $0xffff, v3;
	v23 =	vcvt.f32.s32 v23;
	v57 =	vmin.f32 v28, $2.550000000e+02;
	v58 =	vmax.f32 v29, $0.0e+00  }
0x1f7: {  	[tilespmem:v25+s11+$0x0] =	vst.idx.add.f32.msk $0xffff, v3;
	v20 =	vmin.f32 v58, $2.550000000e+02;
	v26 =	vtrunc.f32 v57;
	v59 =	vmax.f32 v30, $0.0e+00  }
0x1f8: {  	[tilespmem:v49+s11+$0x0] =	vst.idx.add.f32.msk $0xffff, v3;
	v60 =	vmin.f32 v59, $2.550000000e+02;
	v20 =	vtrunc.f32 v20;
	v26 =	vcvt.f32.s32 v26  }
0x1f9: {  	[tilespmem:v24+s11+$0x0] =	vst.idx.add.f32.msk $0xffff, v3;
	v21 =	vtrunc.f32 v60;
	v20 =	vcvt.f32.s32 v20  }
0x1fa: {  	[tilespmem:v56+s11+$0x0] =	vst.idx.add.f32.msk $0xffff, v3;
	v21 =	vcvt.f32.s32 v21  }
0x1fb: {  	[tilespmem:v27+s11+$0x0] =	vst.idx.add.f32.msk $0xffff, v3  }
0x1fc: {  	[tilespmem:v22+s11+$0x0] =	vst.idx.add.f32.msk $0xffff, v3  }
0x1fd: {  	[tilespmem:v23+s11+$0x0] =	vst.idx.add.f32.msk $0xffff, v3  }
0x1fe: {  	[tilespmem:v26+s11+$0x0] =	vst.idx.add.f32.msk $0xffff, v3  }
0x1ff: {  	[tilespmem:v20+s11+$0x0] =	vst.idx.add.f32.msk $0xffff, v3  }
0x200: {  	[tilespmem:v21+s11+$0x0] =	vst.idx.add.f32.msk $0xffff, v3  }
0x201: {  	v20 =	vld.idx.msk [tilespmem:v1+s11+$0x0], $0xffff  }
0x202: {  	v21 =	vld.idx.msk [tilespmem:v4+s11+$0x0], $0xffff  }
0x203: {  	v22 =	vld.idx.msk [tilespmem:v5+s11+$0x0], $0xffff  }
0x204: {  	v23 =	vld.idx.msk [tilespmem:v6+s11+$0x0], $0xffff  }
0x205: {  	v24 =	vld.idx.msk [tilespmem:v7+s11+$0x0], $0xffff  }
0x206: {  	v25 =	vld.idx.msk [tilespmem:v8+s11+$0x0], $0xffff  }
0x207: {  	v26 =	vld.idx.msk [tilespmem:v9+s11+$0x0], $0xffff  }
0x208: {  	v27 =	vld.idx.msk [tilespmem:v10+s11+$0x0], $0xffff  }
0x209: {  	v61 =	vld.idx.msk [tilespmem:v11+s11+$0x0], $0xffff  }
0x20a: {  	v62 =	vld.idx.msk [tilespmem:v12+s11+$0x0], $0xffff  }
0x20b: {  	v63 =	vld.idx.msk [tilespmem:v13+s11+$0x0], $0xffff  }
0x20c: {  	v31 =	vld.idx.msk [tilespmem:v14+s11+$0x0], $0xffff  }
0x20d: {  	v32 =	vld.idx.msk [tilespmem:v15+s11+$0x0], $0xffff  }
0x20e: {  	v33 =	vld.idx.msk [tilespmem:v16+s11+$0x0], $0xffff  }
0x20f: {  	v34 =	vld.idx.msk [tilespmem:v17+s11+$0x0], $0xffff  }
0x210: {  	v35 =	vld.idx.msk [tilespmem:v18+s11+$0x0], $0xffff;
	_ =	sdelay $0x1  }
0x211: {  	v20 =	vadd.f32 v21, v20;
	v36 =	vadd.f32 v23, v22  }
0x212: {  	v37 =	vadd.f32 v25, v24;
	v38 =	vadd.f32 v27, v26  }
0x213: {  	v39 =	vadd.f32 v62, v61;
	v40 =	vadd.f32 v31, v63  }
0x214: {  	v41 =	vadd.f32 v33, v32;
	v42 =	vadd.f32 v35, v34  }
0x215: {  	v20 =	vadd.f32 v36, v20;
	v43 =	vadd.f32 v38, v37  }
0x216: {  	v44 =	vadd.f32 v40, v39;
	v45 =	vadd.f32 v42, v41;
	_ =	sdelay $0x1  }
0x217: {  	v20 =	vadd.f32 v43, v20;
	v46 =	vadd.f32 v45, v44;
	_ =	sdelay $0x1  }
0x218: {  	v47 =	vld [tilespmem:$0x10000];
	v20 =	vadd.f32 v46, v20  }
0x219: {  	v48 =	vld [tilespmem:$0x10010]  }
0x21a: {  	v49 =	vld [tilespmem:$0x10020];
	(xrf2) =	vadd.scan.msk.f32 $0xffff, v20  }
0x21b: {  	v50 =	vld [tilespmem:$0x10030]  }
0x21c: {  	v51 =	vld [tilespmem:$0x10040]  }
0x21d: {  	(xrf2) =	vadd.scan.msk.f32 $0xffff, v47  }
0x21e: {  	(xrf2) =	vadd.scan.msk.f32 $0xffff, v48  }
0x21f: {  	(xrf2) =	vadd.scan.msk.f32 $0xffff, v49  }
0x220: {  	(xrf2) =	vadd.scan.msk.f32 $0xffff, v50  }
0x221: {  	(xrf2) =	vadd.scan.msk.f32 $0xffff, v51;
	_ =	sdelay $0x1  }
0x222: {  	v53 =	vld [tilespmem:$0x10050]  }
0x223: {  	v55 =	vld [tilespmem:$0x10060];
	v52, _, _ =	vpop (xrf2)  }
0x224: {  	v20 =	vsub.f32 v52, v20;
	_ =	sdelay $0x1  }
0x225: {  	v58 =	vld [tilespmem:$0x10070];
	v56, _, _ =	vpop (xrf2);
	v54 =	vbroadcast v20, $0x0  }
0x226: {  	v63 =	vld [tilespmem:$0x10080];
	(xrf2) =	vadd.scan.msk.f32 $0xffff, v53;
	v59, _, _ =	vpop (xrf2);
	v57 =	vbroadcast v20, $0x1;
	v60 =	vbroadcast v20, $0x2  }
0x227: {  	v32 =	vld [tilespmem:$0x10090];
	(xrf2) =	vadd.scan.msk.f32 $0xffff, v55;
	v62, _, _ =	vpop (xrf2);
	v33 =	vbroadcast v20, $0x3;
	v35 =	vbroadcast v20, $0x4  }
0x228: {  	v41 =	vbroadcast v20, $0x5;
	v44 =	vbroadcast v20, $0x6;
	v34, _, _ =	vpop (xrf2)  }
0x229: {  	v46 =	vbroadcast v20, $0x7;
	v22 =	vadd.f32 v54, v56;
	v24 =	vadd.f32 v57, v59;
	v36, _, _ =	vpop (xrf2)  }
0x22a: {  	(xrf2) =	vadd.scan.msk.f32 $0xffff, v58;
	v52 =	vbroadcast v20, $0x8;
	v25 =	vadd.f32 v34, v33;
	v38 =	vadd.f32 v36, v35  }
0x22b: {  	v39 =	vld [tilespmem:$0x100A0];
	(xrf2) =	vadd.scan.msk.f32 $0xffff, v63;
	v54 =	vbroadcast v20, $0x9;
	v61 =	vsub.f32 $1.024000000e+03, v22;
	v22 =	vadd.f32 v60, v62  }
0x22c: {  	v40 =	vld [tilespmem:$0x100B0];
	(xrf2) =	vadd.scan.msk.f32 $0xffff, v32;
	v36 =	vbroadcast v20, $0xC;
	v24 =	vsub.f32 $1.024000000e+03, v24;
	v37 =	vsub.f32 $1.024000000e+03, v25  }
0x22d: {  	v43 =	vld [tilespmem:$0x100C0];
	v60 =	vbroadcast v20, $0xA;
	v21 =	vmul.f32 $-1.000500280e-03, v61;
	v22 =	vsub.f32 $1.024000000e+03, v22  }
0x22e: {  	v62 =	vbroadcast v20, $0xB;
	v25 =	vsub.f32 $1.024000000e+03, v38;
	v24 =	vmul.f32 $-1.000500280e-03, v24  }
0x22f: {  	v47 =	vld [tilespmem:$0x100D0];
	v21 =	vmul.f32 $1.442695020e+00, v21;
	v22 =	vmul.f32 $-1.000500280e-03, v22  }
0x230: {  	v50 =	vld [tilespmem:$0x100E0];
	v25 =	vmul.f32 $-1.000500280e-03, v25;
	v24 =	vmul.f32 $1.442695020e+00, v24;
	v42, _, _ =	vpop (xrf2);
	(xrf2) =	vadd.scan.msk.f32 $0xffff, v39  }
0x231: {  	v51 =	vld [tilespmem:$0x100F0];
	v45, _, _ =	vpop (xrf2);
	(xrf2) =	vadd.scan.msk.f32 $0xffff, v40;
	(erf) = vpow2.f32 v21;
	v22 =	vmul.f32 $1.442695020e+00, v22  }
0x232: {  	v21 =	vmul.f32 $-1.000500280e-03, v37;
	(xrf2) =	vadd.scan.msk.f32 $0xffff, v43;
	(erf) = vpow2.f32 v24  }
0x233: {  	v27 =	vadd.f32 v45, v44;
	(erf) = vpow2.f32 v22;
	v22 =	vadd.f32 v42, v41  }
0x234: {  	v39 =	vbroadcast v20, $0xD;
	v25 =	vmul.f32 $1.442695020e+00, v25;
	v49, _, _ =	vpop (xrf2);
	(xrf2) =	vadd.scan.msk.f32 $0xffff, v47  }
0x235: {  	v21 =	vmul.f32 $1.442695020e+00, v21;
	v27 =	vsub.f32 $1.024000000e+03, v27;
	v53, _, _ =	vpop (xrf2);
	(xrf2) =	vadd.scan.msk.f32 $0xffff, v50;
	v48 =	vsub.f32 $1.024000000e+03, v22  }
0x236: {  	v41 =	vbroadcast v20, $0xE;
	v20 =	vbroadcast v20, $0xF;
	v56, _, _ =	vpop (xrf2);
	(xrf2) =	vadd.scan.msk.f32 $0xffff, v51;
	v22 =	vadd.f32 v49, v46  }
0x237: {  	(erf) = vpow2.f32 v21;
	v26 =	vadd.f32 v56, v54;
	v21 =	vmul.f32 $-1.000500280e-03, v48  }
0x238: {  	v55 =	vadd.f32 v53, v52;
	v57 =	vmul.f32 $-1.000500280e-03, v27;
	v22 =	vsub.f32 $1.024000000e+03, v22  }
0x239: {  	(erf) = vpow2.f32 v25;
	v59 =	vsub.f32 $1.024000000e+03, v26;
	v21 =	vmul.f32 $1.442695020e+00, v21  }
0x23a: {  	v58 =	vsub.f32 $1.024000000e+03, v55;
	v23 =	vmul.f32 $1.442695020e+00, v57;
	v22 =	vmul.f32 $-1.000500280e-03, v22;
	v61, _, _ =	vpop (xrf2)  }
0x23b: {  	v24 =	vmul.f32 $-1.000500280e-03, v59;
	v63, _, _ =	vpop (xrf2);
	v32 =	vadd.f32 v61, v60;
	(erf) = vpow2.f32 v21  }
0x23c: {  	v22 =	vmul.f32 $1.442695020e+00, v22;
	v21 =	vmul.f32 $-1.000500280e-03, v58;
	v34 =	vadd.f32 v63, v62;
	v37, _, _ =	vpop (xrf2)  }
0x23d: {  	v33 =	vmul.f32 $1.442695020e+00, v24;
	(erf) = vpow2.f32 v23;
	v23 =	vadd.f32 v37, v36  }
0x23e: {  	v35 =	vsub.f32 $1.024000000e+03, v32;
	v40, _, _ =	vpop (xrf2);
	v21 =	vmul.f32 $1.442695020e+00, v21;
	v38 =	vsub.f32 $1.024000000e+03, v34  }
0x23f: {  	(erf) = vpow2.f32 v22;
	v42, _, _ =	vpop (xrf2);
	v24 =	vadd.f32 v40, v39;
	v23 =	vsub.f32 $1.024000000e+03, v23  }
0x240: {  	v25 =	vadd.f32 v42, v41;
	v43, _, _ =	vpop (xrf2);
	(erf) = vpow2.f32 v21;
	v21 =	vmul.f32 $-1.000500280e-03, v35  }
0x241: {  	v22 =	vmul.f32 $-1.000500280e-03, v38;
	v24 =	vsub.f32 $1.024000000e+03, v24;
	v20 =	vadd.f32 v43, v20  }
0x242: {  	(erf) = vpow2.f32 v33;
	v44 =	vmul.f32 $-1.000500280e-03, v23;
	v45 =	vsub.f32 $1.024000000e+03, v25  }
0x243: {  	v21 =	vmul.f32 $1.442695020e+00, v21;
	v22 =	vmul.f32 $1.442695020e+00, v22  }
0x244: {  	v47 =	vmul.f32 $-1.000500280e-03, v24;
	v20 =	vsub.f32 $1.024000000e+03, v20;
	v23 =	vmul.f32 $-1.000500280e-03, v45  }
0x245: {  	v46 =	vpop (erf);
	(erf) = vpow2.f32 v21;
	v21 =	vmul.f32 $1.442695020e+00, v44  }
0x246: {  	v48 =	vpop (erf);
	v20 =	vmul.f32 $-1.000500280e-03, v20;
	(erf) = vpow2.f32 v22  }
0x247: {  	v49 =	vpop (erf);
	v22 =	vmul.f32 $1.442695020e+00, v47;
	v51 =	vmul.f32 $1.442695020e+00, v23  }
0x248: {  	v50 =	vpop (erf);
	(erf) = vpow2.f32 v21;
	v20 =	vmul.f32 $1.442695020e+00, v20  }
0x249: {  	v52 =	vpop (erf);
	(erf) = vpow2.f32 v22  }
0x24a: {  	v53 =	vpop (erf);
	(erf) = vpow2.f32 v51  }
0x24b: {  	v54 =	vpop (erf);
	(erf) = vpow2.f32 v20  }
0x24c: {  	v20 =	vpop (erf)  }
0x24d: {  	v55 =	vpop (erf)  }
0x24e: {  	v25 =	vadd.f32 $0.0e+00, v46;
	v24 =	vadd.f32 $0.0e+00, v48;
	v56 =	vpop (erf)  }
0x24f: {  	v26 =	vadd.f32 $0.0e+00, v49;
	v27 =	vadd.f32 $0.0e+00, v50;
	v57 =	vpop (erf)  }
0x250: {  	v23 =	vadd.f32 v52, v25;
	v22 =	vadd.f32 v53, v24;
	v58 =	vpop (erf)  }
0x251: {  	v21 =	vadd.f32 v54, v26;
	v20 =	vadd.f32 v20, v27;
	v59 =	vpop (erf)  }
0x252: {  	v23 =	vadd.f32 v55, v23;
	v22 =	vadd.f32 v56, v22;
	v60 =	vpop (erf)  }
0x253: {  	v21 =	vadd.f32 v57, v21;
	v20 =	vadd.f32 v58, v20;
	v61 =	vpop (erf)  }
0x254: {  	v23 =	vadd.f32 v59, v23;
	v22 =	vadd.f32 v60, v22;
	v62 =	vpop (erf)  }
0x255: {  	v21 =	vadd.f32 v61, v21;
	v20 =	vadd.f32 v62, v20;
	_ =	sdelay $0x1  }
0x256: {  	v22 =	vadd.f32 v22, v23;
	v20 =	vadd.f32 v20, v21;
	_ =	sdelay $0x1  }
0x257: {  	v20 =	vadd.f32 v20, v22;
	_ =	sdelay $0x1  }
0x258: {  	(xrf2) =	vadd.scan.msk.f32 $0xffff, v20;
	_ =	sdelay $0x5  }
0x259: {  	[tilespmem:$0x10000] =	vst v2  }
0x25a: {  	[tilespmem:$0x10010] =	vst v2  }
0x25b: {  	[tilespmem:$0x10020] =	vst v2  }
0x25c: {  	[tilespmem:$0x10030] =	vst v2  }
0x25d: {  	[tilespmem:$0x10040] =	vst v2;
	v20, _, _ =	vpop (xrf2)  }
0x25e: {  	[tilespmem:$0x10050] =	vst v2;
	v20 =	vadd.f32 $-1.000000000e+00, v20  }
0x25f: {  	[tilespmem:$0x10060] =	vst v2  }
0x260: {  	[tilespmem:$0x10070] =	vst v2;
	v20 =	vmul.f32 $-3.906250000e-02, v20  }
0x261: {  	[tilespmem:$0x10080] =	vst v2  }
0x262: {  	s31 =	sor.u32 $0x8, s17;
	s17 =	sadd.s32 $0x1, s17;
	[tilespmem:$0x10090] =	vst v2;
	v20 =	vadd.f32 $6.768314840e+00, v20  }
0x263: {  	p0 =	sne.s32 s17, $0x8;
	[tilespmem:$0x100A0] =	vst v2  }
.Ltmp3:
0x264: {  	[tilespmem:$0x100B0] =	vst v2;
	v20 =	vmul.f32 $1.559993030e+00, v20;
	(pc) =	sbr.rel @p0 .LBB2_7-.Ltmp3, $4  }
0x265: {  	[tilespmem:$0x100C0] =	vst v2  }
0x266: {  	[tilespmem:$0x100D0] =	vst v2;
	v63 =	vmov s31;
	v20 =	vbroadcast v20, $0xF  }
0x267: {  	[tilespmem:$0x100E0] =	vst v2;
	vm0 =	veq.s32 v63, v0  }
0x268: {  	s18 =	sadd.s32 $0x1000, s18;
	[tilespmem:$0x100F0] =	vst v2;
	v19 =	vsel vm0, v20, v19  }
0x269: {  	s17 =	sshll.u32 s16, $0x4;
	s16 =	sadd.s32 $0x1, s16  }
0x26a: {  	p0 =	sne.s32 s16, $0x18  }
.Ltmp4:
0x26b: {  	_ = 	snop;
	(pc) =	sbr.rel @p0 .LBB2_2-.Ltmp4, $3  }
0x26c: {  	_ =	sdelay $0x1  }
0x26d: {  	s17 =	sand.u32 $0x3FFFFFF0, s17  }
0x26e: {  	[tilespmem:s17+$0x10100] =	vst v19  }
0x26f: {  	s15 =	sadd.s32 $0x1, s15  }
0x270: {  	p0 =	sne.s32 s15, s8  }
.Ltmp5:
0x271: {  	_ = 	snop;
	(pc) =	sbr.rel @p0 .LBB2_1-.Ltmp5, $4  }
0x272: {  	[hbm4b:s7+s2] =	stream.linear.scatter [tilespmem:s13], [sflag:$0x3], $0x180, $0x38;
	[tilespmem:$0x10280] =	vst v63  }
0x273: {  	_ =	swait.ge [sflag:s14], $0x180  }
0x274: {  	[sflag:s14] =	ssyncset.done $0x0  }
0x275: {  	[sflag:s14] =	ssyncadd.s32 $0xFFFFFE80  }
0x276: {  	_ =	sfence.sel $0x180000  }
0x277: {  	[bflag:$0x0] =	sbarrier.arrive $0xFFFF  }
0x278: {  	p0 =	sne.s32 s0, $0x0;
	_ =	strace $0x90000047  }
0x279: {  	s0 =	sadd.s32 @!p0 $0x100000, s1;
	[bflag:$0x2] =	sbarrier.arrive $0xFFFF  }
0x27a: {  	[sflag:s0] =	ssyncadd.tile.s32 @!p0 $0x1;
	_ =	shalt  }
.Lfunc_end2:
_tile_overlayer_lowered:
.L_overlay_start_2:
0x27b: {  	(tag) =	ssettag $0x2  }
0x27c: {  	s0 =	rddreg [dreg:$0x0];
	s2 =	stileid.u32  }
0x27d: {  	s1 =	rddreg [dreg:$0x1];
	p0 =	sne.s32 s2, $0x0  }
0x27e: {  	s3 =	rddreg [dreg:$0x2];
	[bflag:$0x3] =	sbarrier.arrive $0xFFFF;
	s2 =	simm.s32 @!p0 $0x1C03  }
0x27f: {  	[timem:s3], [sflag:s2] =	dma.local @!p0 [hbm:s0], s1  }
0x280: {  	s0 =	simm.s32 @!p0 $0x3  }
0x281: {  	_ =	swait.ge @!p0 [sflag:s0], s1  }
0x282: {  	s1 =	ssub.s32 @!p0 $0x0, s1;
	[sflag:s0] =	ssyncset.done @!p0 $0x0  }
0x283: {  	[sflag:s0] =	ssyncadd.s32 @!p0 s1  }
0x284: {  	[bflag:$0x3] =	sbarrier.arrive $0xFFFF  }
0x285: {  	_ =	shalt  }

</sc_bundles>
